<compile_context>
chip_gen: v7x
topology: tpu7x:2x2x1
jax: 0.10.2.dev20260603
libtpu: 0.0.44.dev20260713+nightly
codegen_flags: <defaults>
</compile_context>

<pallas_src>
import functools

import jax
import jax.numpy as jnp
from jax import lax
from jax.experimental import pallas as pl
from jax.experimental.pallas import tpu as pltpu
from jax.experimental.pallas import tpu_sc as plsc

N = 10000
E = 320000
D = 128
NP = 10240
EP = 323584
NB = 80
CH = EP // 32 // 128
RPT = NP // 16

_mesh = plsc.VectorSubcoreMesh(core_axis_name="c", subcore_axis_name="s",
                               num_cores=2, num_subcores=16)


def _fill1d(ref, n, val, dtype):
    def body(i, c):
        ref[pl.ds(i * 16, 16)] = jnp.full((16,), val, dtype)
        return c
    lax.fori_loop(0, n // 16, body, 0)



@functools.partial(
    pl.kernel,
    out_type=jax.ShapeDtypeStruct((4 * NP,), jnp.float32),
    mesh=_mesh,
    scratch_types=[
        pltpu.VMEM_SHARED((NP,), jnp.float32),
        pltpu.VMEM_SHARED((NP,), jnp.float32),
        pltpu.VMEM((CH, 128), jnp.int32),
        pltpu.VMEM((CH, 128), jnp.int32),
        pltpu.VMEM((128,), jnp.float32),
        pltpu.VMEM((RPT,), jnp.float32),
    ],
)
def _deg_kernel(src_hbm, dst_hbm, degp_hbm,
                dout_sp, din_sp, sidx, didx, ones_v, zbuf):
    cid = lax.axis_index("c")
    sid = lax.axis_index("s")
    wid = cid * 16 + sid
    pltpu.sync_copy(src_hbm.at[wid], sidx)
    pltpu.sync_copy(dst_hbm.at[wid], didx)

    _fill1d(zbuf, RPT, 0.0, jnp.float32)
    pltpu.sync_copy(zbuf, dout_sp.at[pl.ds(sid * RPT, RPT)])
    pltpu.sync_copy(zbuf, din_sp.at[pl.ds(sid * RPT, RPT)])
    _fill1d(ones_v, 128, 1.0, jnp.float32)
    plsc.subcore_barrier()

    def body(j, carry):
        pltpu.sync_copy(ones_v, dout_sp.at[sidx.at[j]], add=True)
        pltpu.sync_copy(ones_v, din_sp.at[didx.at[j]], add=True)
        return carry

    lax.fori_loop(0, CH, body, 0)
    plsc.subcore_barrier()
    base = cid * (2 * NP) + sid * RPT
    pltpu.sync_copy(dout_sp.at[pl.ds(sid * RPT, RPT)],
                    degp_hbm.at[pl.ds(base, RPT)])
    pltpu.sync_copy(din_sp.at[pl.ds(sid * RPT, RPT)],
                    degp_hbm.at[pl.ds(base + NP, RPT)])



def _prep_body(feats_ref, degp_ref, h_ref):
    i = pl.program_id(0)
    f = feats_ref[...]
    deg = degp_ref[...]
    deg_out = deg[0, 0, :] + deg[1, 0, :]
    norm = jnp.where(deg_out > 0, lax.rsqrt(deg_out), 0.0)
    row = i * 128 + lax.broadcasted_iota(jnp.int32, (128, 1), 0)
    h_ref[...] = jnp.where(row < N, f * norm[:, None], 0.0)


_prep_call = pl.pallas_call(
    _prep_body,
    grid=(NB,),
    in_specs=[
        pl.BlockSpec((128, D), lambda i: (i, 0)),
        pl.BlockSpec((2, 2, 128), lambda i: (0, 0, i)),
    ],
    out_specs=pl.BlockSpec((128, D), lambda i: (i, 0)),
    out_shape=jax.ShapeDtypeStruct((NP, D), jnp.float32),
)



@functools.partial(
    pl.kernel,
    out_type=jax.ShapeDtypeStruct((2, NP, D), jnp.float32),
    mesh=_mesh,
    scratch_types=[
        pltpu.VMEM_SHARED((NP, D), jnp.float32),
        pltpu.VMEM((CH, 128), jnp.int32),
        pltpu.VMEM((CH, 128), jnp.int32),
        pltpu.VMEM((128, D), jnp.float32),
        pltpu.SemaphoreType.DMA,
    ],
)
def _agg_kernel(h_hbm, srcb_hbm, dstb_hbm, aggp_hbm,
                agg_sp, sidx, didx, rows, sem):
    cid = lax.axis_index("c")
    sid = lax.axis_index("s")
    wid = cid * 16 + sid
    pltpu.sync_copy(srcb_hbm.at[wid], sidx)
    pltpu.sync_copy(dstb_hbm.at[wid], didx)

    def zbody(i, c):
        for k in range(D // 16):
            rows[i, pl.ds(k * 16, 16)] = jnp.zeros((16,), jnp.float32)
        return c
    lax.fori_loop(0, 128, zbody, 0)
    for c in range(RPT // 128):
        pltpu.sync_copy(rows, agg_sp.at[pl.ds(sid * RPT + c * 128, 128)])
    plsc.subcore_barrier()

    def body(j, carry):
        pltpu.async_copy(h_hbm.at[sidx.at[j]], rows, sem).wait()
        pltpu.sync_copy(rows, agg_sp.at[didx.at[j]], add=True)
        return carry

    lax.fori_loop(0, CH, body, 0)
    plsc.subcore_barrier()
    pltpu.sync_copy(agg_sp.at[pl.ds(sid * RPT, RPT)],
                    aggp_hbm.at[cid, pl.ds(sid * RPT, RPT)])



def _final_body(aggp_ref, degp_ref, w_ref, b_ref, a_ref, out_ref):
    agg = aggp_ref[0] + aggp_ref[1]
    deg = degp_ref[...]
    deg_in = deg[0, 1, :] + deg[1, 1, :]
    norm = jnp.where(deg_in > 0, lax.rsqrt(deg_in), 0.0)
    rst = agg * norm[:, None]
    o = jnp.dot(rst, w_ref[...], preferred_element_type=jnp.float32)
    o = o + b_ref[0, :]
    a = a_ref[0, 0]
    out_ref[...] = jnp.where(o >= 0, o, a * o)


_final_call = pl.pallas_call(
    _final_body,
    grid=(NB,),
    in_specs=[
        pl.BlockSpec((2, 128, D), lambda i: (0, i, 0)),
        pl.BlockSpec((2, 2, 128), lambda i: (0, 0, i)),
        pl.BlockSpec((D, D), lambda i: (0, 0)),
        pl.BlockSpec((1, D), lambda i: (0, 0)),
        pl.BlockSpec((1, 1), lambda i: (0, 0)),
    ],
    out_specs=pl.BlockSpec((128, D), lambda i: (i, 0)),
    out_shape=jax.ShapeDtypeStruct((NP, D), jnp.float32),
)



def kernel(feats, edge_index, W, b, prelu_a):
    src = edge_index[0].astype(jnp.int32)
    dst = edge_index[1].astype(jnp.int32)
    pad = N + (jnp.arange(EP - E, dtype=jnp.int32) % (NP - N))
    src_b = jnp.concatenate([src, pad]).reshape(32, CH, 128)
    dst_b = jnp.concatenate([dst, pad]).reshape(32, CH, 128)
    feats_pad = jnp.pad(feats, ((0, NP - N), (0, 0)))

    degp = _deg_kernel(src_b, dst_b).reshape(2, 2, NP)
    h = _prep_call(feats_pad, degp)
    aggp = _agg_kernel(h, src_b, dst_b)
    out = _final_call(aggp, degp, W, b.reshape(1, D),
                      prelu_a.reshape(1, 1))
    return out[:N]

# --- scband reference (transcript-rebuilt; emitter-appended) ---
"""Pipeline reference for scband-bi-graph-contrast-layer-31353261260880 (READ-ONLY COPY).

The authoritative reference and input builder live on the scoring server;
editing this copy changes nothing except your own understanding.
"""

import jax, jax.numpy as jnp
import numpy as np

N_NODES = 10000
N_EDGES = 320000
IN_DIM = 128
HIDDEN_DIM = 128


def setup_inputs(seed: int = 0) -> dict:
    key = jax.random.key(seed)
    k1, k2, k3, k4 = jax.random.split(key, 4)
    feats = jax.random.normal(k1, (N_NODES, IN_DIM), dtype=jnp.float32)
    edge_index = jax.random.randint(k2, (2, N_EDGES), 0, N_NODES).astype(jnp.int64)
    # GraphConv learned params (Glorot-ish init) + bias + PReLU weight (num_parameters=1, init 0.25)
    W = jax.random.normal(k3, (IN_DIM, HIDDEN_DIM), dtype=jnp.float32) * (1.0 / np.sqrt(IN_DIM))
    b = jnp.zeros((HIDDEN_DIM,), dtype=jnp.float32)
    prelu_a = jnp.array([0.25], dtype=jnp.float32)
    return {"feats": feats, "edge_index": edge_index, "W": W, "b": b, "prelu_a": prelu_a}


def reference(feats, edge_index, W, b, prelu_a):
    # DGL GraphConv with norm='both', weight=True, bias=True, activation=PReLU
    src = edge_index[0]
    dst = edge_index[1]
    ones = jnp.ones((src.shape[0],), dtype=jnp.float32)
    deg_out = jax.ops.segment_sum(ones, src, num_segments=N_NODES)
    deg_in = jax.ops.segment_sum(ones, dst, num_segments=N_NODES)
    norm_out = jnp.where(deg_out > 0, deg_out ** -0.5, 0.0)
    norm_in = jnp.where(deg_in > 0, deg_in ** -0.5, 0.0)
    # normalize source features, gather along edges, scatter-add to destinations
    h = feats * norm_out[:, None]
    msgs = jnp.take(h, src, axis=0)
    agg = jax.ops.segment_sum(msgs, dst, num_segments=N_NODES)
    rst = agg * norm_in[:, None]
    out = rst @ W + b
    # PReLU activation
    out = jnp.where(out >= 0, out, prelu_a[0] * out)
    return out

if __name__ == "__main__":
    import jax
    _d = setup_inputs()
    print(jax.jit(kernel)(*tuple(_d.values())))

</pallas_src>

<mosaic_0001>
#map = affine_map<(d0, d1) -> (0, 0, 0)>
#map1 = affine_map<(d0, d1) -> (0)>
module attributes {stable_mosaic.version = 14 : i64} {
  func.func @_deg_kernel(%arg0: i32, %arg1: i32, %arg2: memref<32x79x128xi32, #tpu.memory_space<hbm>>, %arg3: memref<32x79x128xi32, #tpu.memory_space<hbm>>, %arg4: memref<40960xf32, #tpu.memory_space<hbm>>, %arg5: memref<10240xf32, #tpu.memory_space<vmem_shared>>, %arg6: memref<10240xf32, #tpu.memory_space<vmem_shared>>, %arg7: memref<79x128xi32, #tpu.memory_space<vmem>>, %arg8: memref<79x128xi32, #tpu.memory_space<vmem>>, %arg9: memref<128xf32, #tpu.memory_space<vmem>>, %arg10: memref<640xf32, #tpu.memory_space<vmem>>) attributes {dimension_semantics = [#tpu.dimension_semantics<core_parallel>, #tpu.dimension_semantics<subcore_parallel>], iteration_bounds = array<i64: 2, 16>, scalar_prefetch = 0 : i64, scratch_operands = 6 : i64, tpu.core_type = #tpu.core_type<sc_vector_subcore>, window_params = [{transform_indices = #map}, {transform_indices = #map}, {transform_indices = #map1}]} {
    %mul3A = arith.constant 16 : i32
    %mul3A_0 = arith.muli %arg0, %mul3A : i32
    %add3A = arith.addi %mul3A_0, %arg1 : i32
    "tpu.region"() ({
      %run_scoped3A = tpu.sem_alloc : memref<!tpu.dma_semaphore, #tpu.memory_space<semaphore_mem>>
      %dma_start3A = arith.constant 0 : i32
      %dma_start3A_34 = arith.constant 0 : i32
      %dma_start3A_35 = tpu.memref_slice %arg2[%add3A, %dma_start3A, %dma_start3A_34] : memref<32x79x128xi32, #tpu.memory_space<hbm>> -> memref<1x79x128xi32, #tpu.memory_space<hbm>>
      %dma_start3A_36 = tpu.memref_squeeze %dma_start3A_35 : memref<1x79x128xi32, #tpu.memory_space<hbm>> -> memref<79x128xi32, #tpu.memory_space<hbm>>
      %dma_start3A_37 = arith.constant 0 : i32
      %dma_start3A_38 = arith.constant 0 : i32
      %dma_start3A_39 = tpu.memref_slice %arg2[%add3A, %dma_start3A_37, %dma_start3A_38] : memref<32x79x128xi32, #tpu.memory_space<hbm>> -> memref<1x79x128xi32, #tpu.memory_space<hbm>>
      %dma_start3A_40 = tpu.memref_squeeze %dma_start3A_39 : memref<1x79x128xi32, #tpu.memory_space<hbm>> -> memref<79x128xi32, #tpu.memory_space<hbm>>
      tpu.enqueue_dma source(%dma_start3A_40 : memref<79x128xi32, #tpu.memory_space<hbm>>) target(%arg7 : memref<79x128xi32, #tpu.memory_space<vmem>>) target_semaphore(%run_scoped3A : memref<!tpu.dma_semaphore, #tpu.memory_space<semaphore_mem>>)
      %dma_wait3A = arith.constant 0 : i32
      %dma_wait3A_41 = arith.constant 0 : i32
      %dma_wait3A_42 = tpu.memref_slice %arg2[%add3A, %dma_wait3A, %dma_wait3A_41] : memref<32x79x128xi32, #tpu.memory_space<hbm>> -> memref<1x79x128xi32, #tpu.memory_space<hbm>>
      %dma_wait3A_43 = tpu.memref_squeeze %dma_wait3A_42 : memref<1x79x128xi32, #tpu.memory_space<hbm>> -> memref<79x128xi32, #tpu.memory_space<hbm>>
      %dma_wait3A_44 = arith.constant 0 : i32
      %dma_wait3A_45 = arith.constant 0 : i32
      %dma_wait3A_46 = tpu.memref_slice %arg2[%add3A, %dma_wait3A_44, %dma_wait3A_45] : memref<32x79x128xi32, #tpu.memory_space<hbm>> -> memref<1x79x128xi32, #tpu.memory_space<hbm>>
      %dma_wait3A_47 = tpu.memref_squeeze %dma_wait3A_46 : memref<1x79x128xi32, #tpu.memory_space<hbm>> -> memref<79x128xi32, #tpu.memory_space<hbm>>
      tpu.wait_dma2 semaphore(%run_scoped3A : memref<!tpu.dma_semaphore, #tpu.memory_space<semaphore_mem>>) src(%dma_wait3A_47 : memref<79x128xi32, #tpu.memory_space<hbm>>) dst(%arg7 : memref<79x128xi32, #tpu.memory_space<vmem>>)
      tpu.yield
    }) : () -> ()
    "tpu.region"() ({
      %run_scoped3A = tpu.sem_alloc : memref<!tpu.dma_semaphore, #tpu.memory_space<semaphore_mem>>
      %dma_start3A = arith.constant 0 : i32
      %dma_start3A_34 = arith.constant 0 : i32
      %dma_start3A_35 = tpu.memref_slice %arg3[%add3A, %dma_start3A, %dma_start3A_34] : memref<32x79x128xi32, #tpu.memory_space<hbm>> -> memref<1x79x128xi32, #tpu.memory_space<hbm>>
      %dma_start3A_36 = tpu.memref_squeeze %dma_start3A_35 : memref<1x79x128xi32, #tpu.memory_space<hbm>> -> memref<79x128xi32, #tpu.memory_space<hbm>>
      %dma_start3A_37 = arith.constant 0 : i32
      %dma_start3A_38 = arith.constant 0 : i32
      %dma_start3A_39 = tpu.memref_slice %arg3[%add3A, %dma_start3A_37, %dma_start3A_38] : memref<32x79x128xi32, #tpu.memory_space<hbm>> -> memref<1x79x128xi32, #tpu.memory_space<hbm>>
      %dma_start3A_40 = tpu.memref_squeeze %dma_start3A_39 : memref<1x79x128xi32, #tpu.memory_space<hbm>> -> memref<79x128xi32, #tpu.memory_space<hbm>>
      tpu.enqueue_dma source(%dma_start3A_40 : memref<79x128xi32, #tpu.memory_space<hbm>>) target(%arg8 : memref<79x128xi32, #tpu.memory_space<vmem>>) target_semaphore(%run_scoped3A : memref<!tpu.dma_semaphore, #tpu.memory_space<semaphore_mem>>)
      %dma_wait3A = arith.constant 0 : i32
      %dma_wait3A_41 = arith.constant 0 : i32
      %dma_wait3A_42 = tpu.memref_slice %arg3[%add3A, %dma_wait3A, %dma_wait3A_41] : memref<32x79x128xi32, #tpu.memory_space<hbm>> -> memref<1x79x128xi32, #tpu.memory_space<hbm>>
      %dma_wait3A_43 = tpu.memref_squeeze %dma_wait3A_42 : memref<1x79x128xi32, #tpu.memory_space<hbm>> -> memref<79x128xi32, #tpu.memory_space<hbm>>
      %dma_wait3A_44 = arith.constant 0 : i32
      %dma_wait3A_45 = arith.constant 0 : i32
      %dma_wait3A_46 = tpu.memref_slice %arg3[%add3A, %dma_wait3A_44, %dma_wait3A_45] : memref<32x79x128xi32, #tpu.memory_space<hbm>> -> memref<1x79x128xi32, #tpu.memory_space<hbm>>
      %dma_wait3A_47 = tpu.memref_squeeze %dma_wait3A_46 : memref<1x79x128xi32, #tpu.memory_space<hbm>> -> memref<79x128xi32, #tpu.memory_space<hbm>>
      tpu.wait_dma2 semaphore(%run_scoped3A : memref<!tpu.dma_semaphore, #tpu.memory_space<semaphore_mem>>) src(%dma_wait3A_47 : memref<79x128xi32, #tpu.memory_space<hbm>>) dst(%arg8 : memref<79x128xi32, #tpu.memory_space<vmem>>)
      tpu.yield
    }) : () -> ()
    %scan3A = arith.constant 0 : i32
    %scan3A_1 = arith.constant 0 : i32
    %scan3A_2 = arith.constant 40 : i32
    %scan3A_3 = arith.addi %scan3A_1, %scan3A_2 : i32
    %scan3A_4 = arith.constant 1 : i32
    scf.for %scan3A_34 = %scan3A_1 to %scan3A_3 step %scan3A_4  : i32 {
      %broadcast_in_dim3A = arith.constant 0.000000e+00 : f32
      %broadcast_in_dim3A_35 = vector.broadcast %broadcast_in_dim3A : f32 to vector<16xf32>
      %mul3A_36 = arith.constant 16 : i32
      %mul3A_37 = arith.muli %scan3A_34, %mul3A_36 : i32
      %swap3A = arith.index_cast %mul3A_37 : i32 to index
      %swap3A_38 = tpu.vector_load %arg10[%swap3A] {strides = array<i32>} : memref<640xf32, #tpu.memory_space<vmem>>, vector<16xf32>,
      %swap3A_39 = vector.shape_cast %swap3A_38 : vector<16xf32> to vector<16xf32>
      %swap3A_40 = vector.shape_cast %broadcast_in_dim3A_35 : vector<16xf32> to vector<16xf32>
      tpu.vector_store %arg10[%swap3A], %swap3A_40 {strides = array<i32>} : memref<640xf32, #tpu.memory_space<vmem>>, vector<16xf32>,
    }
    %scan3A_5 = arith.constant 40 : i32
    %mul3A_6 = arith.constant 640 : i32
    %mul3A_7 = arith.muli %arg1, %mul3A_6 : i32
    "tpu.region"() ({
      %run_scoped3A = tpu.sem_alloc : memref<!tpu.dma_semaphore, #tpu.memory_space<semaphore_mem>>
      %dma_start3A = tpu.memref_slice %arg5[%mul3A_7] : memref<10240xf32, #tpu.memory_space<vmem_shared>> -> memref<640xf32, #tpu.memory_space<vmem_shared>>
      %dma_start3A_34 = tpu.memref_slice %arg5[%mul3A_7] : memref<10240xf32, #tpu.memory_space<vmem_shared>> -> memref<640xf32, #tpu.memory_space<vmem_shared>>
      tpu.enqueue_dma source(%arg10 : memref<640xf32, #tpu.memory_space<vmem>>) target(%dma_start3A_34 : memref<640xf32, #tpu.memory_space<vmem_shared>>) target_semaphore(%run_scoped3A : memref<!tpu.dma_semaphore, #tpu.memory_space<semaphore_mem>>)
      %dma_wait3A = tpu.memref_slice %arg5[%mul3A_7] : memref<10240xf32, #tpu.memory_space<vmem_shared>> -> memref<640xf32, #tpu.memory_space<vmem_shared>>
      %dma_wait3A_35 = tpu.memref_slice %arg5[%mul3A_7] : memref<10240xf32, #tpu.memory_space<vmem_shared>> -> memref<640xf32, #tpu.memory_space<vmem_shared>>
      tpu.wait_dma2 semaphore(%run_scoped3A : memref<!tpu.dma_semaphore, #tpu.memory_space<semaphore_mem>>) src(%arg10 : memref<640xf32, #tpu.memory_space<vmem>>) dst(%dma_wait3A_35 : memref<640xf32, #tpu.memory_space<vmem_shared>>)
      tpu.yield
    }) : () -> ()
    %mul3A_8 = arith.constant 640 : i32
    %mul3A_9 = arith.muli %arg1, %mul3A_8 : i32
    "tpu.region"() ({
      %run_scoped3A = tpu.sem_alloc : memref<!tpu.dma_semaphore, #tpu.memory_space<semaphore_mem>>
      %dma_start3A = tpu.memref_slice %arg6[%mul3A_9] : memref<10240xf32, #tpu.memory_space<vmem_shared>> -> memref<640xf32, #tpu.memory_space<vmem_shared>>
      %dma_start3A_34 = tpu.memref_slice %arg6[%mul3A_9] : memref<10240xf32, #tpu.memory_space<vmem_shared>> -> memref<640xf32, #tpu.memory_space<vmem_shared>>
      tpu.enqueue_dma source(%arg10 : memref<640xf32, #tpu.memory_space<vmem>>) target(%dma_start3A_34 : memref<640xf32, #tpu.memory_space<vmem_shared>>) target_semaphore(%run_scoped3A : memref<!tpu.dma_semaphore, #tpu.memory_space<semaphore_mem>>)
      %dma_wait3A = tpu.memref_slice %arg6[%mul3A_9] : memref<10240xf32, #tpu.memory_space<vmem_shared>> -> memref<640xf32, #tpu.memory_space<vmem_shared>>
      %dma_wait3A_35 = tpu.memref_slice %arg6[%mul3A_9] : memref<10240xf32, #tpu.memory_space<vmem_shared>> -> memref<640xf32, #tpu.memory_space<vmem_shared>>
      tpu.wait_dma2 semaphore(%run_scoped3A : memref<!tpu.dma_semaphore, #tpu.memory_space<semaphore_mem>>) src(%arg10 : memref<640xf32, #tpu.memory_space<vmem>>) dst(%dma_wait3A_35 : memref<640xf32, #tpu.memory_space<vmem_shared>>)
      tpu.yield
    }) : () -> ()
    %scan3A_10 = arith.constant 0 : i32
    %scan3A_11 = arith.constant 0 : i32
    %scan3A_12 = arith.constant 8 : i32
    %scan3A_13 = arith.addi %scan3A_11, %scan3A_12 : i32
    %scan3A_14 = arith.constant 1 : i32
    scf.for %scan3A_34 = %scan3A_11 to %scan3A_13 step %scan3A_14  : i32 {
      %broadcast_in_dim3A = arith.constant 1.000000e+00 : f32
      %broadcast_in_dim3A_35 = vector.broadcast %broadcast_in_dim3A : f32 to vector<16xf32>
      %mul3A_36 = arith.constant 16 : i32
      %mul3A_37 = arith.muli %scan3A_34, %mul3A_36 : i32
      %swap3A = arith.index_cast %mul3A_37 : i32 to index
      %swap3A_38 = tpu.vector_load %arg9[%swap3A] {strides = array<i32>} : memref<128xf32, #tpu.memory_space<vmem>>, vector<16xf32>,
      %swap3A_39 = vector.shape_cast %swap3A_38 : vector<16xf32> to vector<16xf32>
      %swap3A_40 = vector.shape_cast %broadcast_in_dim3A_35 : vector<16xf32> to vector<16xf32>
      tpu.vector_store %arg9[%swap3A], %swap3A_40 {strides = array<i32>} : memref<128xf32, #tpu.memory_space<vmem>>, vector<16xf32>,
    }
    %scan3A_15 = arith.constant 8 : i32
    %barrier3A = arith.constant 0 : index
    tpu.barrier barrier_id(%barrier3A)
    %scan3A_16 = arith.constant 0 : i32
    %scan3A_17 = arith.constant 0 : i32
    %scan3A_18 = arith.constant 79 : i32
    %scan3A_19 = arith.addi %scan3A_17, %scan3A_18 : i32
    %scan3A_20 = arith.constant 1 : i32
    scf.for %scan3A_34 = %scan3A_17 to %scan3A_19 step %scan3A_20  : i32 {
      "tpu.region"() ({
        %run_scoped3A = tpu.sem_alloc : memref<!tpu.dma_semaphore, #tpu.memory_space<semaphore_mem>>
        %dma_start3A = arith.constant 0 : i32
        %dma_start3A_35 = tpu.memref_slice %arg7[%scan3A_34, %dma_start3A] : memref<79x128xi32, #tpu.memory_space<vmem>> -> memref<1x128xi32, #tpu.memory_space<vmem>>
        %dma_start3A_36 = tpu.memref_squeeze %dma_start3A_35 : memref<1x128xi32, #tpu.memory_space<vmem>> -> memref<128xi32, #tpu.memory_space<vmem>>
        %dma_start3A_37 = arith.constant 0 : i32
        %dma_start3A_38 = tpu.memref_slice %arg5[%dma_start3A_37] : memref<10240xf32, #tpu.memory_space<vmem_shared>> -> memref<10240xf32, #tpu.memory_space<vmem_shared>>
        tpu.enqueue_indirect_dma source(%arg9 : memref<128xf32, #tpu.memory_space<vmem>>) target(%dma_start3A_38 : memref<10240xf32, #tpu.memory_space<vmem_shared>>) offsets(%dma_start3A_36 : memref<128xi32, #tpu.memory_space<vmem>>) semaphore(%run_scoped3A : memref<!tpu.dma_semaphore, #tpu.memory_space<semaphore_mem>>) {add = true}
        %dma_wait3A = arith.constant 0 : i32
        %dma_wait3A_39 = tpu.memref_slice %arg7[%scan3A_34, %dma_wait3A] : memref<79x128xi32, #tpu.memory_space<vmem>> -> memref<1x128xi32, #tpu.memory_space<vmem>>
        %dma_wait3A_40 = tpu.memref_squeeze %dma_wait3A_39 : memref<1x128xi32, #tpu.memory_space<vmem>> -> memref<128xi32, #tpu.memory_space<vmem>>
        %dma_wait3A_41 = arith.constant 0 : i32
        %dma_wait3A_42 = tpu.memref_slice %arg5[%dma_wait3A_41] : memref<10240xf32, #tpu.memory_space<vmem_shared>> -> memref<10240xf32, #tpu.memory_space<vmem_shared>>
        tpu.wait_indirect_dma semaphore(%run_scoped3A : memref<!tpu.dma_semaphore, #tpu.memory_space<semaphore_mem>>) src(%arg9 : memref<128xf32, #tpu.memory_space<vmem>>) dst(%dma_wait3A_42 : memref<10240xf32, #tpu.memory_space<vmem_shared>>)
        tpu.yield
      }) : () -> ()
      "tpu.region"() ({
        %run_scoped3A = tpu.sem_alloc : memref<!tpu.dma_semaphore, #tpu.memory_space<semaphore_mem>>
        %dma_start3A = arith.constant 0 : i32
        %dma_start3A_35 = tpu.memref_slice %arg8[%scan3A_34, %dma_start3A] : memref<79x128xi32, #tpu.memory_space<vmem>> -> memref<1x128xi32, #tpu.memory_space<vmem>>
        %dma_start3A_36 = tpu.memref_squeeze %dma_start3A_35 : memref<1x128xi32, #tpu.memory_space<vmem>> -> memref<128xi32, #tpu.memory_space<vmem>>
        %dma_start3A_37 = arith.constant 0 : i32
        %dma_start3A_38 = tpu.memref_slice %arg6[%dma_start3A_37] : memref<10240xf32, #tpu.memory_space<vmem_shared>> -> memref<10240xf32, #tpu.memory_space<vmem_shared>>
        tpu.enqueue_indirect_dma source(%arg9 : memref<128xf32, #tpu.memory_space<vmem>>) target(%dma_start3A_38 : memref<10240xf32, #tpu.memory_space<vmem_shared>>) offsets(%dma_start3A_36 : memref<128xi32, #tpu.memory_space<vmem>>) semaphore(%run_scoped3A : memref<!tpu.dma_semaphore, #tpu.memory_space<semaphore_mem>>) {add = true}
        %dma_wait3A = arith.constant 0 : i32
        %dma_wait3A_39 = tpu.memref_slice %arg8[%scan3A_34, %dma_wait3A] : memref<79x128xi32, #tpu.memory_space<vmem>> -> memref<1x128xi32, #tpu.memory_space<vmem>>
        %dma_wait3A_40 = tpu.memref_squeeze %dma_wait3A_39 : memref<1x128xi32, #tpu.memory_space<vmem>> -> memref<128xi32, #tpu.memory_space<vmem>>
        %dma_wait3A_41 = arith.constant 0 : i32
        %dma_wait3A_42 = tpu.memref_slice %arg6[%dma_wait3A_41] : memref<10240xf32, #tpu.memory_space<vmem_shared>> -> memref<10240xf32, #tpu.memory_space<vmem_shared>>
        tpu.wait_indirect_dma semaphore(%run_scoped3A : memref<!tpu.dma_semaphore, #tpu.memory_space<semaphore_mem>>) src(%arg9 : memref<128xf32, #tpu.memory_space<vmem>>) dst(%dma_wait3A_42 : memref<10240xf32, #tpu.memory_space<vmem_shared>>)
        tpu.yield
      }) : () -> ()
    }
    %scan3A_21 = arith.constant 79 : i32
    %barrier3A_22 = arith.constant 0 : index
    tpu.barrier barrier_id(%barrier3A_22)
    %mul3A_23 = arith.constant 20480 : i32
    %mul3A_24 = arith.muli %arg0, %mul3A_23 : i32
    %mul3A_25 = arith.constant 640 : i32
    %mul3A_26 = arith.muli %arg1, %mul3A_25 : i32
    %add3A_27 = arith.addi %mul3A_24, %mul3A_26 : i32
    %mul3A_28 = arith.constant 640 : i32
    %mul3A_29 = arith.muli %arg1, %mul3A_28 : i32
    "tpu.region"() ({
      %run_scoped3A = tpu.sem_alloc : memref<!tpu.dma_semaphore, #tpu.memory_space<semaphore_mem>>
      %dma_start3A = tpu.memref_slice %arg4[%add3A_27] : memref<40960xf32, #tpu.memory_space<hbm>> -> memref<640xf32, #tpu.memory_space<hbm>>
      %dma_start3A_34 = tpu.memref_slice %arg5[%mul3A_29] : memref<10240xf32, #tpu.memory_space<vmem_shared>> -> memref<640xf32, #tpu.memory_space<vmem_shared>>
      tpu.enqueue_dma source(%dma_start3A_34 : memref<640xf32, #tpu.memory_space<vmem_shared>>) target(%dma_start3A : memref<640xf32, #tpu.memory_space<hbm>>) target_semaphore(%run_scoped3A : memref<!tpu.dma_semaphore, #tpu.memory_space<semaphore_mem>>)
      %dma_wait3A = tpu.memref_slice %arg4[%add3A_27] : memref<40960xf32, #tpu.memory_space<hbm>> -> memref<640xf32, #tpu.memory_space<hbm>>
      %dma_wait3A_35 = tpu.memref_slice %arg5[%mul3A_29] : memref<10240xf32, #tpu.memory_space<vmem_shared>> -> memref<640xf32, #tpu.memory_space<vmem_shared>>
      tpu.wait_dma2 semaphore(%run_scoped3A : memref<!tpu.dma_semaphore, #tpu.memory_space<semaphore_mem>>) src(%dma_wait3A_35 : memref<640xf32, #tpu.memory_space<vmem_shared>>) dst(%dma_wait3A : memref<640xf32, #tpu.memory_space<hbm>>)
      tpu.yield
    }) : () -> ()
    %mul3A_30 = arith.constant 640 : i32
    %mul3A_31 = arith.muli %arg1, %mul3A_30 : i32
    %add3A_32 = arith.constant 10240 : i32
    %add3A_33 = arith.addi %add3A_27, %add3A_32 : i32
    "tpu.region"() ({
      %run_scoped3A = tpu.sem_alloc : memref<!tpu.dma_semaphore, #tpu.memory_space<semaphore_mem>>
      %dma_start3A = tpu.memref_slice %arg4[%add3A_33] : memref<40960xf32, #tpu.memory_space<hbm>> -> memref<640xf32, #tpu.memory_space<hbm>>
      %dma_start3A_34 = tpu.memref_slice %arg6[%mul3A_31] : memref<10240xf32, #tpu.memory_space<vmem_shared>> -> memref<640xf32, #tpu.memory_space<vmem_shared>>
      tpu.enqueue_dma source(%dma_start3A_34 : memref<640xf32, #tpu.memory_space<vmem_shared>>) target(%dma_start3A : memref<640xf32, #tpu.memory_space<hbm>>) target_semaphore(%run_scoped3A : memref<!tpu.dma_semaphore, #tpu.memory_space<semaphore_mem>>)
      %dma_wait3A = tpu.memref_slice %arg4[%add3A_33] : memref<40960xf32, #tpu.memory_space<hbm>> -> memref<640xf32, #tpu.memory_space<hbm>>
      %dma_wait3A_35 = tpu.memref_slice %arg6[%mul3A_31] : memref<10240xf32, #tpu.memory_space<vmem_shared>> -> memref<640xf32, #tpu.memory_space<vmem_shared>>
      tpu.wait_dma2 semaphore(%run_scoped3A : memref<!tpu.dma_semaphore, #tpu.memory_space<semaphore_mem>>) src(%dma_wait3A_35 : memref<640xf32, #tpu.memory_space<vmem_shared>>) dst(%dma_wait3A : memref<640xf32, #tpu.memory_space<hbm>>)
      tpu.yield
    }) : () -> ()
    return
  }
}

#map = affine_map<(d0, d1) -> (0, 0)>
#map1 = affine_map<(d0, d1) -> (0, 0, 0)>
module attributes {stable_mosaic.version = 14 : i64} {
  func.func @_agg_kernel(%arg0: i32, %arg1: i32, %arg2: memref<10240x128xf32, #tpu.memory_space<hbm>>, %arg3: memref<32x79x128xi32, #tpu.memory_space<hbm>>, %arg4: memref<32x79x128xi32, #tpu.memory_space<hbm>>, %arg5: memref<2x10240x128xf32, #tpu.memory_space<hbm>>, %arg6: memref<10240x128xf32, #tpu.memory_space<vmem_shared>>, %arg7: memref<79x128xi32, #tpu.memory_space<vmem>>, %arg8: memref<79x128xi32, #tpu.memory_space<vmem>>, %arg9: memref<128x128xf32, #tpu.memory_space<vmem>>, %arg10: memref<!tpu.dma_semaphore, #tpu.memory_space<semaphore_mem>>) attributes {dimension_semantics = [#tpu.dimension_semantics<core_parallel>, #tpu.dimension_semantics<subcore_parallel>], iteration_bounds = array<i64: 2, 16>, scalar_prefetch = 0 : i64, scratch_operands = 5 : i64, tpu.core_type = #tpu.core_type<sc_vector_subcore>, window_params = [{transform_indices = #map}, {transform_indices = #map1}, {transform_indices = #map1}, {transform_indices = #map1}]} {
    %mul3A = arith.constant 16 : i32
    %mul3A_0 = arith.muli %arg0, %mul3A : i32
    %add3A = arith.addi %mul3A_0, %arg1 : i32
    "tpu.region"() ({
      %run_scoped3A = tpu.sem_alloc : memref<!tpu.dma_semaphore, #tpu.memory_space<semaphore_mem>>
      %dma_start3A = arith.constant 0 : i32
      %dma_start3A_37 = arith.constant 0 : i32
      %dma_start3A_38 = tpu.memref_slice %arg3[%add3A, %dma_start3A, %dma_start3A_37] : memref<32x79x128xi32, #tpu.memory_space<hbm>> -> memref<1x79x128xi32, #tpu.memory_space<hbm>>
      %dma_start3A_39 = tpu.memref_squeeze %dma_start3A_38 : memref<1x79x128xi32, #tpu.memory_space<hbm>> -> memref<79x128xi32, #tpu.memory_space<hbm>>
      %dma_start3A_40 = arith.constant 0 : i32
      %dma_start3A_41 = arith.constant 0 : i32
      %dma_start3A_42 = tpu.memref_slice %arg3[%add3A, %dma_start3A_40, %dma_start3A_41] : memref<32x79x128xi32, #tpu.memory_space<hbm>> -> memref<1x79x128xi32, #tpu.memory_space<hbm>>
      %dma_start3A_43 = tpu.memref_squeeze %dma_start3A_42 : memref<1x79x128xi32, #tpu.memory_space<hbm>> -> memref<79x128xi32, #tpu.memory_space<hbm>>
      tpu.enqueue_dma source(%dma_start3A_43 : memref<79x128xi32, #tpu.memory_space<hbm>>) target(%arg7 : memref<79x128xi32, #tpu.memory_space<vmem>>) target_semaphore(%run_scoped3A : memref<!tpu.dma_semaphore, #tpu.memory_space<semaphore_mem>>)
      %dma_wait3A = arith.constant 0 : i32
      %dma_wait3A_44 = arith.constant 0 : i32
      %dma_wait3A_45 = tpu.memref_slice %arg3[%add3A, %dma_wait3A, %dma_wait3A_44] : memref<32x79x128xi32, #tpu.memory_space<hbm>> -> memref<1x79x128xi32, #tpu.memory_space<hbm>>
      %dma_wait3A_46 = tpu.memref_squeeze %dma_wait3A_45 : memref<1x79x128xi32, #tpu.memory_space<hbm>> -> memref<79x128xi32, #tpu.memory_space<hbm>>
      %dma_wait3A_47 = arith.constant 0 : i32
      %dma_wait3A_48 = arith.constant 0 : i32
      %dma_wait3A_49 = tpu.memref_slice %arg3[%add3A, %dma_wait3A_47, %dma_wait3A_48] : memref<32x79x128xi32, #tpu.memory_space<hbm>> -> memref<1x79x128xi32, #tpu.memory_space<hbm>>
      %dma_wait3A_50 = tpu.memref_squeeze %dma_wait3A_49 : memref<1x79x128xi32, #tpu.memory_space<hbm>> -> memref<79x128xi32, #tpu.memory_space<hbm>>
      tpu.wait_dma2 semaphore(%run_scoped3A : memref<!tpu.dma_semaphore, #tpu.memory_space<semaphore_mem>>) src(%dma_wait3A_50 : memref<79x128xi32, #tpu.memory_space<hbm>>) dst(%arg7 : memref<79x128xi32, #tpu.memory_space<vmem>>)
      tpu.yield
    }) : () -> ()
    "tpu.region"() ({
      %run_scoped3A = tpu.sem_alloc : memref<!tpu.dma_semaphore, #tpu.memory_space<semaphore_mem>>
      %dma_start3A = arith.constant 0 : i32
      %dma_start3A_37 = arith.constant 0 : i32
      %dma_start3A_38 = tpu.memref_slice %arg4[%add3A, %dma_start3A, %dma_start3A_37] : memref<32x79x128xi32, #tpu.memory_space<hbm>> -> memref<1x79x128xi32, #tpu.memory_space<hbm>>
      %dma_start3A_39 = tpu.memref_squeeze %dma_start3A_38 : memref<1x79x128xi32, #tpu.memory_space<hbm>> -> memref<79x128xi32, #tpu.memory_space<hbm>>
      %dma_start3A_40 = arith.constant 0 : i32
      %dma_start3A_41 = arith.constant 0 : i32
      %dma_start3A_42 = tpu.memref_slice %arg4[%add3A, %dma_start3A_40, %dma_start3A_41] : memref<32x79x128xi32, #tpu.memory_space<hbm>> -> memref<1x79x128xi32, #tpu.memory_space<hbm>>
      %dma_start3A_43 = tpu.memref_squeeze %dma_start3A_42 : memref<1x79x128xi32, #tpu.memory_space<hbm>> -> memref<79x128xi32, #tpu.memory_space<hbm>>
      tpu.enqueue_dma source(%dma_start3A_43 : memref<79x128xi32, #tpu.memory_space<hbm>>) target(%arg8 : memref<79x128xi32, #tpu.memory_space<vmem>>) target_semaphore(%run_scoped3A : memref<!tpu.dma_semaphore, #tpu.memory_space<semaphore_mem>>)
      %dma_wait3A = arith.constant 0 : i32
      %dma_wait3A_44 = arith.constant 0 : i32
      %dma_wait3A_45 = tpu.memref_slice %arg4[%add3A, %dma_wait3A, %dma_wait3A_44] : memref<32x79x128xi32, #tpu.memory_space<hbm>> -> memref<1x79x128xi32, #tpu.memory_space<hbm>>
      %dma_wait3A_46 = tpu.memref_squeeze %dma_wait3A_45 : memref<1x79x128xi32, #tpu.memory_space<hbm>> -> memref<79x128xi32, #tpu.memory_space<hbm>>
      %dma_wait3A_47 = arith.constant 0 : i32
      %dma_wait3A_48 = arith.constant 0 : i32
      %dma_wait3A_49 = tpu.memref_slice %arg4[%add3A, %dma_wait3A_47, %dma_wait3A_48] : memref<32x79x128xi32, #tpu.memory_space<hbm>> -> memref<1x79x128xi32, #tpu.memory_space<hbm>>
      %dma_wait3A_50 = tpu.memref_squeeze %dma_wait3A_49 : memref<1x79x128xi32, #tpu.memory_space<hbm>> -> memref<79x128xi32, #tpu.memory_space<hbm>>
      tpu.wait_dma2 semaphore(%run_scoped3A : memref<!tpu.dma_semaphore, #tpu.memory_space<semaphore_mem>>) src(%dma_wait3A_50 : memref<79x128xi32, #tpu.memory_space<hbm>>) dst(%arg8 : memref<79x128xi32, #tpu.memory_space<vmem>>)
      tpu.yield
    }) : () -> ()
    %scan3A = arith.constant 0 : i32
    %scan3A_1 = arith.constant 0 : i32
    %scan3A_2 = arith.constant 128 : i32
    %scan3A_3 = arith.addi %scan3A_1, %scan3A_2 : i32
    %scan3A_4 = arith.constant 1 : i32
    scf.for %scan3A_37 = %scan3A_1 to %scan3A_3 step %scan3A_4  : i32 {
      %broadcast_in_dim3A = arith.constant 0.000000e+00 : f32
      %broadcast_in_dim3A_38 = vector.broadcast %broadcast_in_dim3A : f32 to vector<16xf32>
      %swap3A = arith.index_cast %scan3A_37 : i32 to index
      %swap3A_39 = arith.constant 0 : index
      %swap3A_40 = tpu.vector_load %arg9[%swap3A, %swap3A_39] {strides = array<i32>} : memref<128x128xf32, #tpu.memory_space<vmem>>, vector<1x16xf32>,
      %swap3A_41 = vector.shape_cast %swap3A_40 : vector<1x16xf32> to vector<16xf32>
      %swap3A_42 = vector.shape_cast %broadcast_in_dim3A_38 : vector<16xf32> to vector<1x16xf32>
      tpu.vector_store %arg9[%swap3A, %swap3A_39], %swap3A_42 {strides = array<i32>} : memref<128x128xf32, #tpu.memory_space<vmem>>, vector<1x16xf32>,
      %broadcast_in_dim3A_43 = arith.constant 0.000000e+00 : f32
      %broadcast_in_dim3A_44 = vector.broadcast %broadcast_in_dim3A_43 : f32 to vector<16xf32>
      %swap3A_45 = arith.index_cast %scan3A_37 : i32 to index
      %swap3A_46 = arith.constant 16 : index
      %swap3A_47 = tpu.vector_load %arg9[%swap3A_45, %swap3A_46] {strides = array<i32>} : memref<128x128xf32, #tpu.memory_space<vmem>>, vector<1x16xf32>,
      %swap3A_48 = vector.shape_cast %swap3A_47 : vector<1x16xf32> to vector<16xf32>
      %swap3A_49 = vector.shape_cast %broadcast_in_dim3A_44 : vector<16xf32> to vector<1x16xf32>
      tpu.vector_store %arg9[%swap3A_45, %swap3A_46], %swap3A_49 {strides = array<i32>} : memref<128x128xf32, #tpu.memory_space<vmem>>, vector<1x16xf32>,
      %broadcast_in_dim3A_50 = arith.constant 0.000000e+00 : f32
      %broadcast_in_dim3A_51 = vector.broadcast %broadcast_in_dim3A_50 : f32 to vector<16xf32>
      %swap3A_52 = arith.index_cast %scan3A_37 : i32 to index
      %swap3A_53 = arith.constant 32 : index
      %swap3A_54 = tpu.vector_load %arg9[%swap3A_52, %swap3A_53] {strides = array<i32>} : memref<128x128xf32, #tpu.memory_space<vmem>>, vector<1x16xf32>,
      %swap3A_55 = vector.shape_cast %swap3A_54 : vector<1x16xf32> to vector<16xf32>
      %swap3A_56 = vector.shape_cast %broadcast_in_dim3A_51 : vector<16xf32> to vector<1x16xf32>
      tpu.vector_store %arg9[%swap3A_52, %swap3A_53], %swap3A_56 {strides = array<i32>} : memref<128x128xf32, #tpu.memory_space<vmem>>, vector<1x16xf32>,
      %broadcast_in_dim3A_57 = arith.constant 0.000000e+00 : f32
      %broadcast_in_dim3A_58 = vector.broadcast %broadcast_in_dim3A_57 : f32 to vector<16xf32>
      %swap3A_59 = arith.index_cast %scan3A_37 : i32 to index
      %swap3A_60 = arith.constant 48 : index
      %swap3A_61 = tpu.vector_load %arg9[%swap3A_59, %swap3A_60] {strides = array<i32>} : memref<128x128xf32, #tpu.memory_space<vmem>>, vector<1x16xf32>,
      %swap3A_62 = vector.shape_cast %swap3A_61 : vector<1x16xf32> to vector<16xf32>
      %swap3A_63 = vector.shape_cast %broadcast_in_dim3A_58 : vector<16xf32> to vector<1x16xf32>
      tpu.vector_store %arg9[%swap3A_59, %swap3A_60], %swap3A_63 {strides = array<i32>} : memref<128x128xf32, #tpu.memory_space<vmem>>, vector<1x16xf32>,
      %broadcast_in_dim3A_64 = arith.constant 0.000000e+00 : f32
      %broadcast_in_dim3A_65 = vector.broadcast %broadcast_in_dim3A_64 : f32 to vector<16xf32>
      %swap3A_66 = arith.index_cast %scan3A_37 : i32 to index
      %swap3A_67 = arith.constant 64 : index
      %swap3A_68 = tpu.vector_load %arg9[%swap3A_66, %swap3A_67] {strides = array<i32>} : memref<128x128xf32, #tpu.memory_space<vmem>>, vector<1x16xf32>,
      %swap3A_69 = vector.shape_cast %swap3A_68 : vector<1x16xf32> to vector<16xf32>
      %swap3A_70 = vector.shape_cast %broadcast_in_dim3A_65 : vector<16xf32> to vector<1x16xf32>
      tpu.vector_store %arg9[%swap3A_66, %swap3A_67], %swap3A_70 {strides = array<i32>} : memref<128x128xf32, #tpu.memory_space<vmem>>, vector<1x16xf32>,
      %broadcast_in_dim3A_71 = arith.constant 0.000000e+00 : f32
      %broadcast_in_dim3A_72 = vector.broadcast %broadcast_in_dim3A_71 : f32 to vector<16xf32>
      %swap3A_73 = arith.index_cast %scan3A_37 : i32 to index
      %swap3A_74 = arith.constant 80 : index
      %swap3A_75 = tpu.vector_load %arg9[%swap3A_73, %swap3A_74] {strides = array<i32>} : memref<128x128xf32, #tpu.memory_space<vmem>>, vector<1x16xf32>,
      %swap3A_76 = vector.shape_cast %swap3A_75 : vector<1x16xf32> to vector<16xf32>
      %swap3A_77 = vector.shape_cast %broadcast_in_dim3A_72 : vector<16xf32> to vector<1x16xf32>
      tpu.vector_store %arg9[%swap3A_73, %swap3A_74], %swap3A_77 {strides = array<i32>} : memref<128x128xf32, #tpu.memory_space<vmem>>, vector<1x16xf32>,
      %broadcast_in_dim3A_78 = arith.constant 0.000000e+00 : f32
      %broadcast_in_dim3A_79 = vector.broadcast %broadcast_in_dim3A_78 : f32 to vector<16xf32>
      %swap3A_80 = arith.index_cast %scan3A_37 : i32 to index
      %swap3A_81 = arith.constant 96 : index
      %swap3A_82 = tpu.vector_load %arg9[%swap3A_80, %swap3A_81] {strides = array<i32>} : memref<128x128xf32, #tpu.memory_space<vmem>>, vector<1x16xf32>,
      %swap3A_83 = vector.shape_cast %swap3A_82 : vector<1x16xf32> to vector<16xf32>
      %swap3A_84 = vector.shape_cast %broadcast_in_dim3A_79 : vector<16xf32> to vector<1x16xf32>
      tpu.vector_store %arg9[%swap3A_80, %swap3A_81], %swap3A_84 {strides = array<i32>} : memref<128x128xf32, #tpu.memory_space<vmem>>, vector<1x16xf32>,
      %broadcast_in_dim3A_85 = arith.constant 0.000000e+00 : f32
      %broadcast_in_dim3A_86 = vector.broadcast %broadcast_in_dim3A_85 : f32 to vector<16xf32>
      %swap3A_87 = arith.index_cast %scan3A_37 : i32 to index
      %swap3A_88 = arith.constant 112 : index
      %swap3A_89 = tpu.vector_load %arg9[%swap3A_87, %swap3A_88] {strides = array<i32>} : memref<128x128xf32, #tpu.memory_space<vmem>>, vector<1x16xf32>,
      %swap3A_90 = vector.shape_cast %swap3A_89 : vector<1x16xf32> to vector<16xf32>
      %swap3A_91 = vector.shape_cast %broadcast_in_dim3A_86 : vector<16xf32> to vector<1x16xf32>
      tpu.vector_store %arg9[%swap3A_87, %swap3A_88], %swap3A_91 {strides = array<i32>} : memref<128x128xf32, #tpu.memory_space<vmem>>, vector<1x16xf32>,
    }
    %scan3A_5 = arith.constant 128 : i32
    %mul3A_6 = arith.constant 640 : i32
    %mul3A_7 = arith.muli %arg1, %mul3A_6 : i32
    %add3A_8 = arith.constant 0 : i32
    %add3A_9 = arith.addi %mul3A_7, %add3A_8 : i32
    "tpu.region"() ({
      %run_scoped3A = tpu.sem_alloc : memref<!tpu.dma_semaphore, #tpu.memory_space<semaphore_mem>>
      %dma_start3A = arith.constant 0 : i32
      %dma_start3A_37 = tpu.memref_slice %arg6[%add3A_9, %dma_start3A] : memref<10240x128xf32, #tpu.memory_space<vmem_shared>> -> memref<128x128xf32, #tpu.memory_space<vmem_shared>>
      %dma_start3A_38 = arith.constant 0 : i32
      %dma_start3A_39 = tpu.memref_slice %arg6[%add3A_9, %dma_start3A_38] : memref<10240x128xf32, #tpu.memory_space<vmem_shared>> -> memref<128x128xf32, #tpu.memory_space<vmem_shared>>
      tpu.enqueue_dma source(%arg9 : memref<128x128xf32, #tpu.memory_space<vmem>>) target(%dma_start3A_39 : memref<128x128xf32, #tpu.memory_space<vmem_shared>>) target_semaphore(%run_scoped3A : memref<!tpu.dma_semaphore, #tpu.memory_space<semaphore_mem>>)
      %dma_wait3A = arith.constant 0 : i32
      %dma_wait3A_40 = tpu.memref_slice %arg6[%add3A_9, %dma_wait3A] : memref<10240x128xf32, #tpu.memory_space<vmem_shared>> -> memref<128x128xf32, #tpu.memory_space<vmem_shared>>
      %dma_wait3A_41 = arith.constant 0 : i32
      %dma_wait3A_42 = tpu.memref_slice %arg6[%add3A_9, %dma_wait3A_41] : memref<10240x128xf32, #tpu.memory_space<vmem_shared>> -> memref<128x128xf32, #tpu.memory_space<vmem_shared>>
      tpu.wait_dma2 semaphore(%run_scoped3A : memref<!tpu.dma_semaphore, #tpu.memory_space<semaphore_mem>>) src(%arg9 : memref<128x128xf32, #tpu.memory_space<vmem>>) dst(%dma_wait3A_42 : memref<128x128xf32, #tpu.memory_space<vmem_shared>>)
      tpu.yield
    }) : () -> ()
    %mul3A_10 = arith.constant 640 : i32
    %mul3A_11 = arith.muli %arg1, %mul3A_10 : i32
    %add3A_12 = arith.constant 128 : i32
    %add3A_13 = arith.addi %mul3A_11, %add3A_12 : i32
    "tpu.region"() ({
      %run_scoped3A = tpu.sem_alloc : memref<!tpu.dma_semaphore, #tpu.memory_space<semaphore_mem>>
      %dma_start3A = arith.constant 0 : i32
      %dma_start3A_37 = tpu.memref_slice %arg6[%add3A_13, %dma_start3A] : memref<10240x128xf32, #tpu.memory_space<vmem_shared>> -> memref<128x128xf32, #tpu.memory_space<vmem_shared>>
      %dma_start3A_38 = arith.constant 0 : i32
      %dma_start3A_39 = tpu.memref_slice %arg6[%add3A_13, %dma_start3A_38] : memref<10240x128xf32, #tpu.memory_space<vmem_shared>> -> memref<128x128xf32, #tpu.memory_space<vmem_shared>>
      tpu.enqueue_dma source(%arg9 : memref<128x128xf32, #tpu.memory_space<vmem>>) target(%dma_start3A_39 : memref<128x128xf32, #tpu.memory_space<vmem_shared>>) target_semaphore(%run_scoped3A : memref<!tpu.dma_semaphore, #tpu.memory_space<semaphore_mem>>)
      %dma_wait3A = arith.constant 0 : i32
      %dma_wait3A_40 = tpu.memref_slice %arg6[%add3A_13, %dma_wait3A] : memref<10240x128xf32, #tpu.memory_space<vmem_shared>> -> memref<128x128xf32, #tpu.memory_space<vmem_shared>>
      %dma_wait3A_41 = arith.constant 0 : i32
      %dma_wait3A_42 = tpu.memref_slice %arg6[%add3A_13, %dma_wait3A_41] : memref<10240x128xf32, #tpu.memory_space<vmem_shared>> -> memref<128x128xf32, #tpu.memory_space<vmem_shared>>
      tpu.wait_dma2 semaphore(%run_scoped3A : memref<!tpu.dma_semaphore, #tpu.memory_space<semaphore_mem>>) src(%arg9 : memref<128x128xf32, #tpu.memory_space<vmem>>) dst(%dma_wait3A_42 : memref<128x128xf32, #tpu.memory_space<vmem_shared>>)
      tpu.yield
    }) : () -> ()
    %mul3A_14 = arith.constant 640 : i32
    %mul3A_15 = arith.muli %arg1, %mul3A_14 : i32
    %add3A_16 = arith.constant 256 : i32
    %add3A_17 = arith.addi %mul3A_15, %add3A_16 : i32
    "tpu.region"() ({
      %run_scoped3A = tpu.sem_alloc : memref<!tpu.dma_semaphore, #tpu.memory_space<semaphore_mem>>
      %dma_start3A = arith.constant 0 : i32
      %dma_start3A_37 = tpu.memref_slice %arg6[%add3A_17, %dma_start3A] : memref<10240x128xf32, #tpu.memory_space<vmem_shared>> -> memref<128x128xf32, #tpu.memory_space<vmem_shared>>
      %dma_start3A_38 = arith.constant 0 : i32
      %dma_start3A_39 = tpu.memref_slice %arg6[%add3A_17, %dma_start3A_38] : memref<10240x128xf32, #tpu.memory_space<vmem_shared>> -> memref<128x128xf32, #tpu.memory_space<vmem_shared>>
      tpu.enqueue_dma source(%arg9 : memref<128x128xf32, #tpu.memory_space<vmem>>) target(%dma_start3A_39 : memref<128x128xf32, #tpu.memory_space<vmem_shared>>) target_semaphore(%run_scoped3A : memref<!tpu.dma_semaphore, #tpu.memory_space<semaphore_mem>>)
      %dma_wait3A = arith.constant 0 : i32
      %dma_wait3A_40 = tpu.memref_slice %arg6[%add3A_17, %dma_wait3A] : memref<10240x128xf32, #tpu.memory_space<vmem_shared>> -> memref<128x128xf32, #tpu.memory_space<vmem_shared>>
      %dma_wait3A_41 = arith.constant 0 : i32
      %dma_wait3A_42 = tpu.memref_slice %arg6[%add3A_17, %dma_wait3A_41] : memref<10240x128xf32, #tpu.memory_space<vmem_shared>> -> memref<128x128xf32, #tpu.memory_space<vmem_shared>>
      tpu.wait_dma2 semaphore(%run_scoped3A : memref<!tpu.dma_semaphore, #tpu.memory_space<semaphore_mem>>) src(%arg9 : memref<128x128xf32, #tpu.memory_space<vmem>>) dst(%dma_wait3A_42 : memref<128x128xf32, #tpu.memory_space<vmem_shared>>)
      tpu.yield
    }) : () -> ()
    %mul3A_18 = arith.constant 640 : i32
    %mul3A_19 = arith.muli %arg1, %mul3A_18 : i32
    %add3A_20 = arith.constant 384 : i32
    %add3A_21 = arith.addi %mul3A_19, %add3A_20 : i32
    "tpu.region"() ({
      %run_scoped3A = tpu.sem_alloc : memref<!tpu.dma_semaphore, #tpu.memory_space<semaphore_mem>>
      %dma_start3A = arith.constant 0 : i32
      %dma_start3A_37 = tpu.memref_slice %arg6[%add3A_21, %dma_start3A] : memref<10240x128xf32, #tpu.memory_space<vmem_shared>> -> memref<128x128xf32, #tpu.memory_space<vmem_shared>>
      %dma_start3A_38 = arith.constant 0 : i32
      %dma_start3A_39 = tpu.memref_slice %arg6[%add3A_21, %dma_start3A_38] : memref<10240x128xf32, #tpu.memory_space<vmem_shared>> -> memref<128x128xf32, #tpu.memory_space<vmem_shared>>
      tpu.enqueue_dma source(%arg9 : memref<128x128xf32, #tpu.memory_space<vmem>>) target(%dma_start3A_39 : memref<128x128xf32, #tpu.memory_space<vmem_shared>>) target_semaphore(%run_scoped3A : memref<!tpu.dma_semaphore, #tpu.memory_space<semaphore_mem>>)
      %dma_wait3A = arith.constant 0 : i32
      %dma_wait3A_40 = tpu.memref_slice %arg6[%add3A_21, %dma_wait3A] : memref<10240x128xf32, #tpu.memory_space<vmem_shared>> -> memref<128x128xf32, #tpu.memory_space<vmem_shared>>
      %dma_wait3A_41 = arith.constant 0 : i32
      %dma_wait3A_42 = tpu.memref_slice %arg6[%add3A_21, %dma_wait3A_41] : memref<10240x128xf32, #tpu.memory_space<vmem_shared>> -> memref<128x128xf32, #tpu.memory_space<vmem_shared>>
      tpu.wait_dma2 semaphore(%run_scoped3A : memref<!tpu.dma_semaphore, #tpu.memory_space<semaphore_mem>>) src(%arg9 : memref<128x128xf32, #tpu.memory_space<vmem>>) dst(%dma_wait3A_42 : memref<128x128xf32, #tpu.memory_space<vmem_shared>>)
      tpu.yield
    }) : () -> ()
    %mul3A_22 = arith.constant 640 : i32
    %mul3A_23 = arith.muli %arg1, %mul3A_22 : i32
    %add3A_24 = arith.constant 512 : i32
    %add3A_25 = arith.addi %mul3A_23, %add3A_24 : i32
    "tpu.region"() ({
      %run_scoped3A = tpu.sem_alloc : memref<!tpu.dma_semaphore, #tpu.memory_space<semaphore_mem>>
      %dma_start3A = arith.constant 0 : i32
      %dma_start3A_37 = tpu.memref_slice %arg6[%add3A_25, %dma_start3A] : memref<10240x128xf32, #tpu.memory_space<vmem_shared>> -> memref<128x128xf32, #tpu.memory_space<vmem_shared>>
      %dma_start3A_38 = arith.constant 0 : i32
      %dma_start3A_39 = tpu.memref_slice %arg6[%add3A_25, %dma_start3A_38] : memref<10240x128xf32, #tpu.memory_space<vmem_shared>> -> memref<128x128xf32, #tpu.memory_space<vmem_shared>>
      tpu.enqueue_dma source(%arg9 : memref<128x128xf32, #tpu.memory_space<vmem>>) target(%dma_start3A_39 : memref<128x128xf32, #tpu.memory_space<vmem_shared>>) target_semaphore(%run_scoped3A : memref<!tpu.dma_semaphore, #tpu.memory_space<semaphore_mem>>)
      %dma_wait3A = arith.constant 0 : i32
      %dma_wait3A_40 = tpu.memref_slice %arg6[%add3A_25, %dma_wait3A] : memref<10240x128xf32, #tpu.memory_space<vmem_shared>> -> memref<128x128xf32, #tpu.memory_space<vmem_shared>>
      %dma_wait3A_41 = arith.constant 0 : i32
      %dma_wait3A_42 = tpu.memref_slice %arg6[%add3A_25, %dma_wait3A_41] : memref<10240x128xf32, #tpu.memory_space<vmem_shared>> -> memref<128x128xf32, #tpu.memory_space<vmem_shared>>
      tpu.wait_dma2 semaphore(%run_scoped3A : memref<!tpu.dma_semaphore, #tpu.memory_space<semaphore_mem>>) src(%arg9 : memref<128x128xf32, #tpu.memory_space<vmem>>) dst(%dma_wait3A_42 : memref<128x128xf32, #tpu.memory_space<vmem_shared>>)
      tpu.yield
    }) : () -> ()
    %barrier3A = arith.constant 0 : index
    tpu.barrier barrier_id(%barrier3A)
    %scan3A_26 = arith.constant 0 : i32
    %scan3A_27 = arith.constant 0 : i32
    %scan3A_28 = arith.constant 79 : i32
    %scan3A_29 = arith.addi %scan3A_27, %scan3A_28 : i32
    %scan3A_30 = arith.constant 1 : i32
    scf.for %scan3A_37 = %scan3A_27 to %scan3A_29 step %scan3A_30  : i32 {
      %dma_start3A = arith.constant 0 : i32
      %dma_start3A_38 = tpu.memref_slice %arg7[%scan3A_37, %dma_start3A] : memref<79x128xi32, #tpu.memory_space<vmem>> -> memref<1x128xi32, #tpu.memory_space<vmem>>
      %dma_start3A_39 = tpu.memref_squeeze %dma_start3A_38 : memref<1x128xi32, #tpu.memory_space<vmem>> -> memref<128xi32, #tpu.memory_space<vmem>>
      %dma_start3A_40 = arith.constant 0 : i32
      %dma_start3A_41 = arith.constant 0 : i32
      %dma_start3A_42 = tpu.memref_slice %arg2[%dma_start3A_40, %dma_start3A_41] : memref<10240x128xf32, #tpu.memory_space<hbm>> -> memref<10240x128xf32, #tpu.memory_space<hbm>>
      tpu.enqueue_indirect_dma source(%dma_start3A_42 : memref<10240x128xf32, #tpu.memory_space<hbm>>) target(%arg9 : memref<128x128xf32, #tpu.memory_space<vmem>>) offsets(%dma_start3A_39 : memref<128xi32, #tpu.memory_space<vmem>>) semaphore(%arg10 : memref<!tpu.dma_semaphore, #tpu.memory_space<semaphore_mem>>)
      %dma_wait3A = arith.constant 0 : i32
      %dma_wait3A_43 = tpu.memref_slice %arg7[%scan3A_37, %dma_wait3A] : memref<79x128xi32, #tpu.memory_space<vmem>> -> memref<1x128xi32, #tpu.memory_space<vmem>>
      %dma_wait3A_44 = tpu.memref_squeeze %dma_wait3A_43 : memref<1x128xi32, #tpu.memory_space<vmem>> -> memref<128xi32, #tpu.memory_space<vmem>>
      %dma_wait3A_45 = arith.constant 0 : i32
      %dma_wait3A_46 = arith.constant 0 : i32
      %dma_wait3A_47 = tpu.memref_slice %arg2[%dma_wait3A_45, %dma_wait3A_46] : memref<10240x128xf32, #tpu.memory_space<hbm>> -> memref<10240x128xf32, #tpu.memory_space<hbm>>
      tpu.wait_indirect_dma semaphore(%arg10 : memref<!tpu.dma_semaphore, #tpu.memory_space<semaphore_mem>>) src(%dma_wait3A_47 : memref<10240x128xf32, #tpu.memory_space<hbm>>) dst(%arg9 : memref<128x128xf32, #tpu.memory_space<vmem>>)
      "tpu.region"() ({
        %run_scoped3A = tpu.sem_alloc : memref<!tpu.dma_semaphore, #tpu.memory_space<semaphore_mem>>
        %dma_start3A_48 = arith.constant 0 : i32
        %dma_start3A_49 = tpu.memref_slice %arg8[%scan3A_37, %dma_start3A_48] : memref<79x128xi32, #tpu.memory_space<vmem>> -> memref<1x128xi32, #tpu.memory_space<vmem>>
        %dma_start3A_50 = tpu.memref_squeeze %dma_start3A_49 : memref<1x128xi32, #tpu.memory_space<vmem>> -> memref<128xi32, #tpu.memory_space<vmem>>
        %dma_start3A_51 = arith.constant 0 : i32
        %dma_start3A_52 = arith.constant 0 : i32
        %dma_start3A_53 = tpu.memref_slice %arg6[%dma_start3A_51, %dma_start3A_52] : memref<10240x128xf32, #tpu.memory_space<vmem_shared>> -> memref<10240x128xf32, #tpu.memory_space<vmem_shared>>
        tpu.enqueue_indirect_dma source(%arg9 : memref<128x128xf32, #tpu.memory_space<vmem>>) target(%dma_start3A_53 : memref<10240x128xf32, #tpu.memory_space<vmem_shared>>) offsets(%dma_start3A_50 : memref<128xi32, #tpu.memory_space<vmem>>) semaphore(%run_scoped3A : memref<!tpu.dma_semaphore, #tpu.memory_space<semaphore_mem>>) {add = true}
        %dma_wait3A_54 = arith.constant 0 : i32
        %dma_wait3A_55 = tpu.memref_slice %arg8[%scan3A_37, %dma_wait3A_54] : memref<79x128xi32, #tpu.memory_space<vmem>> -> memref<1x128xi32, #tpu.memory_space<vmem>>
        %dma_wait3A_56 = tpu.memref_squeeze %dma_wait3A_55 : memref<1x128xi32, #tpu.memory_space<vmem>> -> memref<128xi32, #tpu.memory_space<vmem>>
        %dma_wait3A_57 = arith.constant 0 : i32
        %dma_wait3A_58 = arith.constant 0 : i32
        %dma_wait3A_59 = tpu.memref_slice %arg6[%dma_wait3A_57, %dma_wait3A_58] : memref<10240x128xf32, #tpu.memory_space<vmem_shared>> -> memref<10240x128xf32, #tpu.memory_space<vmem_shared>>
        tpu.wait_indirect_dma semaphore(%run_scoped3A : memref<!tpu.dma_semaphore, #tpu.memory_space<semaphore_mem>>) src(%arg9 : memref<128x128xf32, #tpu.memory_space<vmem>>) dst(%dma_wait3A_59 : memref<10240x128xf32, #tpu.memory_space<vmem_shared>>)
        tpu.yield
      }) : () -> ()
    }
    %scan3A_31 = arith.constant 79 : i32
    %barrier3A_32 = arith.constant 0 : index
    tpu.barrier barrier_id(%barrier3A_32)
    %mul3A_33 = arith.constant 640 : i32
    %mul3A_34 = arith.muli %arg1, %mul3A_33 : i32
    %mul3A_35 = arith.constant 640 : i32
    %mul3A_36 = arith.muli %arg1, %mul3A_35 : i32
    "tpu.region"() ({
      %run_scoped3A = tpu.sem_alloc : memref<!tpu.dma_semaphore, #tpu.memory_space<semaphore_mem>>
      %dma_start3A = arith.constant 0 : i32
      %dma_start3A_37 = tpu.memref_slice %arg5[%arg0, %mul3A_36, %dma_start3A] : memref<2x10240x128xf32, #tpu.memory_space<hbm>> -> memref<1x640x128xf32, #tpu.memory_space<hbm>>
      %dma_start3A_38 = tpu.memref_squeeze %dma_start3A_37 : memref<1x640x128xf32, #tpu.memory_space<hbm>> -> memref<640x128xf32, #tpu.memory_space<hbm>>
      %dma_start3A_39 = arith.constant 0 : i32
      %dma_start3A_40 = tpu.memref_slice %arg6[%mul3A_34, %dma_start3A_39] : memref<10240x128xf32, #tpu.memory_space<vmem_shared>> -> memref<640x128xf32, #tpu.memory_space<vmem_shared>>
      tpu.enqueue_dma source(%dma_start3A_40 : memref<640x128xf32, #tpu.memory_space<vmem_shared>>) target(%dma_start3A_38 : memref<640x128xf32, #tpu.memory_space<hbm>>) target_semaphore(%run_scoped3A : memref<!tpu.dma_semaphore, #tpu.memory_space<semaphore_mem>>)
      %dma_wait3A = arith.constant 0 : i32
      %dma_wait3A_41 = tpu.memref_slice %arg5[%arg0, %mul3A_36, %dma_wait3A] : memref<2x10240x128xf32, #tpu.memory_space<hbm>> -> memref<1x640x128xf32, #tpu.memory_space<hbm>>
      %dma_wait3A_42 = tpu.memref_squeeze %dma_wait3A_41 : memref<1x640x128xf32, #tpu.memory_space<hbm>> -> memref<640x128xf32, #tpu.memory_space<hbm>>
      %dma_wait3A_43 = arith.constant 0 : i32
      %dma_wait3A_44 = tpu.memref_slice %arg6[%mul3A_34, %dma_wait3A_43] : memref<10240x128xf32, #tpu.memory_space<vmem_shared>> -> memref<640x128xf32, #tpu.memory_space<vmem_shared>>
      tpu.wait_dma2 semaphore(%run_scoped3A : memref<!tpu.dma_semaphore, #tpu.memory_space<semaphore_mem>>) src(%dma_wait3A_44 : memref<640x128xf32, #tpu.memory_space<vmem_shared>>) dst(%dma_wait3A_42 : memref<640x128xf32, #tpu.memory_space<hbm>>)
      tpu.yield
    }) : () -> ()
    return
  }
}

module attributes {stable_mosaic.version = 14 : i64} {
  func.func @_prep_body(%arg0: i32, %arg1: memref<128x128xf32, #tpu.memory_space<vmem>>, %arg2: memref<2x2x128xf32, #tpu.memory_space<vmem>>, %arg3: memref<128x128xf32, #tpu.memory_space<vmem>>) attributes {dimension_semantics = [#tpu.dimension_semantics<arbitrary>], iteration_bounds = array<i64: 80>, scalar_prefetch = 0 : i64, scratch_operands = 0 : i64, tpu.core_type = #tpu.core_type<tc>, window_params = [{transform_indices = @transform_0, window_bounds = array<i64: 128, 128>}, {transform_indices = @transform_1, window_bounds = array<i64: 2, 2, 128>}, {transform_indices = @transform_2, window_bounds = array<i64: 128, 128>}]} {
    %get3A = arith.constant 0 : index
    %get3A_0 = arith.constant 0 : index
    %get3A_1 = vector.load %arg1[%get3A, %get3A_0] : memref<128x128xf32, #tpu.memory_space<vmem>>, vector<128x128xf32>
    %get3A_2 = arith.constant 0 : index
    %get3A_3 = arith.constant 0 : index
    %get3A_4 = arith.constant 0 : index
    %get3A_5 = vector.load %arg2[%get3A_2, %get3A_3, %get3A_4] : memref<2x2x128xf32, #tpu.memory_space<vmem>>, vector<2x2x128xf32>
    %slice3A = vector.extract_strided_slice %get3A_5 {offsets = [0, 0, 0], sizes = [1, 1, 128], strides = [1, 1, 1]} : vector<2x2x128xf32> to vector<1x1x128xf32>
    %squeeze3A = vector.shape_cast %slice3A : vector<1x1x128xf32> to vector<128xf32>
    %slice3A_6 = vector.extract_strided_slice %get3A_5 {offsets = [1, 0, 0], sizes = [1, 1, 128], strides = [1, 1, 1]} : vector<2x2x128xf32> to vector<1x1x128xf32>
    %squeeze3A_7 = vector.shape_cast %slice3A_6 : vector<1x1x128xf32> to vector<128xf32>
    %add3A = arith.addf %squeeze3A, %squeeze3A_7 : vector<128xf32>
    %gt3A = arith.constant 0.000000e+00 : f32
    %gt3A_8 = vector.broadcast %gt3A : f32 to vector<128xf32>
    %gt3A_9 = arith.cmpf ogt, %add3A, %gt3A_8 : vector<128xf32>
    %rsqrt3A = math.rsqrt %add3A : vector<128xf32>
    %jit3A = arith.constant 0.000000e+00 : f32
    %broadcast_in_dim3A = vector.broadcast %jit3A : f32 to vector<128xf32>
    %select_n3A = arith.select %gt3A_9, %rsqrt3A, %broadcast_in_dim3A : vector<128xi1>, vector<128xf32>
    %mul3A = arith.constant 128 : i32
    %mul3A_10 = arith.muli %arg0, %mul3A : i32
    %iota3A = tpu.iota {dimensions = array<i32: 0>} : vector<128x1xi32>
    %add3A_11 = vector.broadcast %mul3A_10 : i32 to vector<128x1xi32>
    %add3A_12 = arith.addi %add3A_11, %iota3A : vector<128x1xi32>
    %lt3A = arith.constant 10000 : i32
    %lt3A_13 = vector.broadcast %lt3A : i32 to vector<128x1xi32>
    %lt3A_14 = arith.cmpi slt, %add3A_12, %lt3A_13 : vector<128x1xi32>
    %broadcast_in_dim3A_15 = vector.shape_cast %select_n3A : vector<128xf32> to vector<128x1xf32>
    %mul3A_16 = vector.broadcast %broadcast_in_dim3A_15 : vector<128x1xf32> to vector<128x128xf32>
    %mul3A_17 = arith.mulf %get3A_1, %mul3A_16 : vector<128x128xf32>
    %jit3A_18 = arith.constant 0.000000e+00 : f32
    %broadcast_in_dim3A_19 = vector.shape_cast %lt3A_14 : vector<128x1xi1> to vector<128x1xi1>
    %broadcast_in_dim3A_20 = vector.broadcast %broadcast_in_dim3A_19 : vector<128x1xi1> to vector<128x128xi1>
    %broadcast_in_dim3A_21 = vector.broadcast %jit3A_18 : f32 to vector<128x128xf32>
    %select_n3A_22 = arith.select %broadcast_in_dim3A_20, %mul3A_17, %broadcast_in_dim3A_21 : vector<128x128xi1>, vector<128x128xf32>
    %swap3A = arith.constant 0 : index
    %swap3A_23 = arith.constant 0 : index
    %swap3A_24 = vector.load %arg3[%swap3A, %swap3A_23] : memref<128x128xf32, #tpu.memory_space<vmem>>, vector<128x128xf32>
    tpu.vector_store %arg3[%swap3A, %swap3A_23], %select_n3A_22 {strides = array<i32>} : memref<128x128xf32, #tpu.memory_space<vmem>>, vector<128x128xf32>,
    return
  }
  func.func @transform_0(%arg0: i32) -> (i32, i32) {
    %c0_i32 = arith.constant 0 : i32
    %c0_i32_0 = arith.constant 0 : i32
    return %arg0, %c0_i32 : i32, i32
  }
  func.func @transform_1(%arg0: i32) -> (i32, i32, i32) {
    %c0_i32 = arith.constant 0 : i32
    %c0_i32_0 = arith.constant 0 : i32
    %c0_i32_1 = arith.constant 0 : i32
    return %c0_i32, %c0_i32_0, %arg0 : i32, i32, i32
  }
  func.func @transform_2(%arg0: i32) -> (i32, i32) {
    %c0_i32 = arith.constant 0 : i32
    %c0_i32_0 = arith.constant 0 : i32
    return %arg0, %c0_i32 : i32, i32
  }
}

module attributes {stable_mosaic.version = 14 : i64} {
  func.func @_final_body(%arg0: i32, %arg1: memref<2x128x128xf32, #tpu.memory_space<vmem>>, %arg2: memref<2x2x128xf32, #tpu.memory_space<vmem>>, %arg3: memref<128x128xf32, #tpu.memory_space<vmem>>, %arg4: memref<1x128xf32, #tpu.memory_space<vmem>>, %arg5: memref<1x1xf32, #tpu.memory_space<vmem>>, %arg6: memref<128x128xf32, #tpu.memory_space<vmem>>) attributes {dimension_semantics = [#tpu.dimension_semantics<arbitrary>], iteration_bounds = array<i64: 80>, scalar_prefetch = 0 : i64, scratch_operands = 0 : i64, tpu.core_type = #tpu.core_type<tc>, window_params = [{transform_indices = @transform_0, window_bounds = array<i64: 2, 128, 128>}, {transform_indices = @transform_1, window_bounds = array<i64: 2, 2, 128>}, {pipeline_mode = #tpu.pipeline_mode<synchronous>, transform_indices = @transform_2, window_bounds = array<i64: 128, 128>}, {pipeline_mode = #tpu.pipeline_mode<synchronous>, transform_indices = @transform_3, window_bounds = array<i64: 1, 128>}, {pipeline_mode = #tpu.pipeline_mode<synchronous>, transform_indices = @transform_4, window_bounds = array<i64: 1, 1>}, {transform_indices = @transform_5, window_bounds = array<i64: 128, 128>}]} {
    %get3A = arith.constant 0 : index
    %get3A_0 = arith.constant 0 : index
    %get3A_1 = arith.constant 0 : index
    %get3A_2 = vector.load %arg1[%get3A, %get3A_0, %get3A_1] : memref<2x128x128xf32, #tpu.memory_space<vmem>>, vector<1x128x128xf32>
    %get3A_3 = vector.shape_cast %get3A_2 : vector<1x128x128xf32> to vector<128x128xf32>
    %get3A_4 = arith.constant 1 : index
    %get3A_5 = arith.constant 0 : index
    %get3A_6 = arith.constant 0 : index
    %get3A_7 = vector.load %arg1[%get3A_4, %get3A_5, %get3A_6] : memref<2x128x128xf32, #tpu.memory_space<vmem>>, vector<1x128x128xf32>
    %get3A_8 = vector.shape_cast %get3A_7 : vector<1x128x128xf32> to vector<128x128xf32>
    %add3A = arith.addf %get3A_3, %get3A_8 : vector<128x128xf32>
    %get3A_9 = arith.constant 0 : index
    %get3A_10 = arith.constant 0 : index
    %get3A_11 = arith.constant 0 : index
    %get3A_12 = vector.load %arg2[%get3A_9, %get3A_10, %get3A_11] : memref<2x2x128xf32, #tpu.memory_space<vmem>>, vector<2x2x128xf32>
    %slice3A = vector.extract_strided_slice %get3A_12 {offsets = [0, 1, 0], sizes = [1, 1, 128], strides = [1, 1, 1]} : vector<2x2x128xf32> to vector<1x1x128xf32>
    %squeeze3A = vector.shape_cast %slice3A : vector<1x1x128xf32> to vector<128xf32>
    %slice3A_13 = vector.extract_strided_slice %get3A_12 {offsets = [1, 1, 0], sizes = [1, 1, 128], strides = [1, 1, 1]} : vector<2x2x128xf32> to vector<1x1x128xf32>
    %squeeze3A_14 = vector.shape_cast %slice3A_13 : vector<1x1x128xf32> to vector<128xf32>
    %add3A_15 = arith.addf %squeeze3A, %squeeze3A_14 : vector<128xf32>
    %gt3A = arith.constant 0.000000e+00 : f32
    %gt3A_16 = vector.broadcast %gt3A : f32 to vector<128xf32>
    %gt3A_17 = arith.cmpf ogt, %add3A_15, %gt3A_16 : vector<128xf32>
    %rsqrt3A = math.rsqrt %add3A_15 : vector<128xf32>
    %jit3A = arith.constant 0.000000e+00 : f32
    %broadcast_in_dim3A = vector.broadcast %jit3A : f32 to vector<128xf32>
    %select_n3A = arith.select %gt3A_17, %rsqrt3A, %broadcast_in_dim3A : vector<128xi1>, vector<128xf32>
    %broadcast_in_dim3A_18 = vector.shape_cast %select_n3A : vector<128xf32> to vector<128x1xf32>
    %mul3A = vector.broadcast %broadcast_in_dim3A_18 : vector<128x1xf32> to vector<128x128xf32>
    %mul3A_19 = arith.mulf %add3A, %mul3A : vector<128x128xf32>
    %get3A_20 = arith.constant 0 : index
    %get3A_21 = arith.constant 0 : index
    %get3A_22 = vector.load %arg3[%get3A_20, %get3A_21] : memref<128x128xf32, #tpu.memory_space<vmem>>, vector<128x128xf32>
    %dot_general3A = arith.constant dense<0.000000e+00> : vector<128x128xf32>
    %dot_general3A_23 = tpu.matmul %mul3A_19, %get3A_22, %dot_general3A {dimension_numbers = #tpu.dot_dimension_numbers<[1], [0], [0], [1], [0, 0, 1, 1], [], []>, transpose_lhs_hint = false} : vector<128x128xf32>, vector<128x128xf32>, vector<128x128xf32> -> vector<128x128xf32>
    %get3A_24 = arith.constant 0 : index
    %get3A_25 = arith.constant 0 : index
    %get3A_26 = vector.load %arg4[%get3A_24, %get3A_25] : memref<1x128xf32, #tpu.memory_space<vmem>>, vector<1x128xf32>
    %get3A_27 = vector.shape_cast %get3A_26 : vector<1x128xf32> to vector<128xf32>
    %broadcast_in_dim3A_28 = vector.shape_cast %get3A_27 : vector<128xf32> to vector<1x128xf32>
    %add3A_29 = vector.broadcast %broadcast_in_dim3A_28 : vector<1x128xf32> to vector<128x128xf32>
    %add3A_30 = arith.addf %dot_general3A_23, %add3A_29 : vector<128x128xf32>
    %get3A_31 = arith.constant 0 : index
    %get3A_32 = arith.constant 0 : index
    %get3A_33 = vector.load %arg5[%get3A_31, %get3A_32] : memref<1x1xf32, #tpu.memory_space<vmem>>, vector<1x1xf32>
    %get3A_34 = vector.extract %get3A_33[0, 0] : f32 from vector<1x1xf32>
    %ge3A = arith.constant 0.000000e+00 : f32
    %ge3A_35 = vector.broadcast %ge3A : f32 to vector<128x128xf32>
    %ge3A_36 = arith.cmpf oge, %add3A_30, %ge3A_35 : vector<128x128xf32>
    %mul3A_37 = vector.broadcast %get3A_34 : f32 to vector<128x128xf32>
    %mul3A_38 = arith.mulf %mul3A_37, %add3A_30 : vector<128x128xf32>
    %select_n3A_39 = arith.select %ge3A_36, %add3A_30, %mul3A_38 : vector<128x128xi1>, vector<128x128xf32>
    %swap3A = arith.constant 0 : index
    %swap3A_40 = arith.constant 0 : index
    %swap3A_41 = vector.load %arg6[%swap3A, %swap3A_40] : memref<128x128xf32, #tpu.memory_space<vmem>>, vector<128x128xf32>
    tpu.vector_store %arg6[%swap3A, %swap3A_40], %select_n3A_39 {strides = array<i32>} : memref<128x128xf32, #tpu.memory_space<vmem>>, vector<128x128xf32>,
    return
  }
  func.func @transform_0(%arg0: i32) -> (i32, i32, i32) {
    %c0_i32 = arith.constant 0 : i32
    %c0_i32_0 = arith.constant 0 : i32
    %c0_i32_1 = arith.constant 0 : i32
    return %c0_i32, %arg0, %c0_i32_0 : i32, i32, i32
  }
  func.func @transform_1(%arg0: i32) -> (i32, i32, i32) {
    %c0_i32 = arith.constant 0 : i32
    %c0_i32_0 = arith.constant 0 : i32
    %c0_i32_1 = arith.constant 0 : i32
    return %c0_i32, %c0_i32_0, %arg0 : i32, i32, i32
  }
  func.func @transform_2(%arg0: i32) -> (i32, i32) {
    %c0_i32 = arith.constant 0 : i32
    %c0_i32_0 = arith.constant 0 : i32
    %c0_i32_1 = arith.constant 0 : i32
    return %c0_i32, %c0_i32_0 : i32, i32
  }
  func.func @transform_3(%arg0: i32) -> (i32, i32) {
    %c0_i32 = arith.constant 0 : i32
    %c0_i32_0 = arith.constant 0 : i32
    %c0_i32_1 = arith.constant 0 : i32
    return %c0_i32, %c0_i32_0 : i32, i32
  }
  func.func @transform_4(%arg0: i32) -> (i32, i32) {
    %c0_i32 = arith.constant 0 : i32
    %c0_i32_0 = arith.constant 0 : i32
    %c0_i32_1 = arith.constant 0 : i32
    return %c0_i32, %c0_i32_0 : i32, i32
  }
  func.func @transform_5(%arg0: i32) -> (i32, i32) {
    %c0_i32 = arith.constant 0 : i32
    %c0_i32_0 = arith.constant 0 : i32
    return %arg0, %c0_i32 : i32, i32
  }
}

</mosaic_0001>

<sc_bundles>
// kernel: kernel.6.cloned.1.call-start
scs
__scs_entry_jumppad:
0x0: {  	(pc) =	sbr.rel $0x88, $3  }
0x1: {  	(tag) =	ssettag $0x0;
	lr =	simm.s32 $0x1  }
0x2: {  	[smem:$0x3F9C] =	sst lr;
	_ =	strace $0xD0000000  }
0x3: {  	_ = 	snop  }
0x4: {  	_ = 	snop  }
0x5: {  	_ = 	snop  }
0x6: {  	_ = 	snop  }
0x7: {  	_ = 	snop  }
__scs_overlays_trampoline_lowered:
0x8: {  	[smem:$0x3FAB] =	sst s0  }
0x9: {  	[smem:$0x3FAC] =	sst s1  }
0xa: {  	[smem:$0x3FAD] =	sst s2  }
0xb: {  	[smem:$0x3FAE] =	sst s3  }
0xc: {  	[smem:$0x3FAF] =	sst s4  }
0xd: {  	[smem:$0x3FB0] =	sst s5  }
0xe: {  	[smem:$0x3FB1] =	sst s6  }
0xf: {  	[smem:$0x3FB2] =	sst s7  }
0x10: {  	[smem:$0x3FB3] =	sst s8  }
0x11: {  	[smem:$0x3FB4] =	sst s9;
	s0 =	simm.s32 @!p0 $0x0  }
0x12: {  	s1 =	sld [smem:$0x3F9A];
	s0 =	simm.s32 @p0 $0x1  }
0x13: {  	[smem:$0x3FB5] =	sst s0;
	s0 =	simm.s32 @!p1 $0x0  }
0x14: {  	s2 =	sld [smem:$0x3F99];
	s0 =	simm.s32 @p1 $0x1  }
0x15: {  	[smem:$0x3FB6] =	sst s0;
	s0 =	simm.s32 @!p2 $0x0  }
0x16: {  	s3 =	sld [smem:$0x3FDB];
	s0 =	simm.s32 @p2 $0x1  }
0x17: {  	s4 =	simm.s32 $0x1BF5;
	[smem:$0x3FB8] =	sst s0  }
0x18: {  	s0 =	sld [smem:$0x3F9B];
	_ =	swait.ge [sflag:s4], $0x0  }
0x19: {  	s7 =	sld [smem:$0x3F9C]  }
0x1a: {  	s8 =	sadd.s32 $0xFFFFE003, lr  }
0x1b: {  	s9 =	sadd.s32 $0xFFFFFEF7, lr;
	s5 =	simm.s32 $0xFFFFFFFF;
	p2 =	slt.u32 s8, $0xFFFFF086  }
0x1c: {  	p1 =	slt.u32 s9, $0xF7A;
	s5 =	simm.s32 @!p2 $0x0  }
0x1d: {  	s5 =	simm.s32 @p1 $0x1;
	p0 =	seq.s32 s7, s2  }
0x1e: {  	s7 =	smul.u32 @!p0 $0xF7A, s2;
	p2 =	seq.s32 @!p0 s5, $0x0  }
0x1f: {  	s9 =	smul.u32 $0xF7A, s1;
	s8 =	simm.s32 @!p0 $0x1BF5;
	p2 =	por !p2, p0  }
0x20: {  	[sflag:s8] =	ssyncset.s32 @!p0 $0xFFFFF086;
	s6 =	sadd.s32 @!p0 s3, s7;
	s7 =	simm.s32 @!p0 $0x108  }
0x21: {  	s3 =	sadd.s32 s3, s9;
	s6 =	sadd.s32 @!p0 $0x88, s6;
	s7 =	simm.s32 @p2 $0x1082  }
0x22: {  	[simem:s7], [sflag:s8] =	dma.local @!p0 [hbm:s6], $0xF7A  }
0x23: {  	s9 =	sor.u32 $0xD0000000, s2;
	s6 =	simm.s32 $0x108;
	_ =	swait.ge @!p0 [sflag:s8], $0x0  }
0x24: {  	s3 =	sadd.s32 $0x88, s3;
	s6 =	simm.s32 @!p1 $0x1082;
	[sflag:s4] =	ssyncset.s32 $0xFFFFF086  }
0x25: {  	[simem:s6], [sflag:s4] =	dma.local [hbm:s3], $0xF7A  }
0x26: {  	[smem:$0x3F9C] =	sst s1;
	(tag) =	ssettag s2;
	_ =	strace s9  }
0x27: {  	s1 =	sld [smem:$0x3FAC]  }
0x28: {  	s2 =	sld [smem:$0x3FAD]  }
0x29: {  	s4 =	sld [smem:$0x3FAF]  }
0x2a: {  	p0 =	seq.s32 s5, $0x0;
	s5 =	sld [smem:$0x3FB0]  }
0x2b: {  	s6 =	sld [smem:$0x3FB1]  }
0x2c: {  	s7 =	sld [smem:$0x3FB2]  }
0x2d: {  	s3 =	simm.s32 $0x108;
	s8 =	sld [smem:$0x3FB3]  }
0x2e: {  	s3 =	simm.s32 @!p0 $0x1082;
	s9 =	sld [smem:$0x3FB4]  }
0x2f: {  	lr =	sadd.s32 s0, s3;
	s0 =	sld [smem:$0x3FAB]  }
0x30: {  	s3 =	sld [smem:$0x3FAE]  }
0x31: {  	[smem:$0x3FB7] =	sst s10  }
0x32: {  	s10 =	sld [smem:$0x3FB5];
	_ =	sdelay $0x3  }
0x33: {  	p0 =	seq.s32 s10, $0x1;
	s10 =	sld [smem:$0x3FB7];
	_ =	sdelay $0x3  }
0x34: {  	[smem:$0x3FB7] =	sst s10  }
0x35: {  	s10 =	sld [smem:$0x3FB6];
	_ =	sdelay $0x3  }
0x36: {  	p1 =	seq.s32 s10, $0x1;
	s10 =	sld [smem:$0x3FB7];
	_ =	sdelay $0x3  }
0x37: {  	[smem:$0x3FB7] =	sst s10  }
0x38: {  	s10 =	sld [smem:$0x3FB8]  }
0x39: {  	_ = 	snop;
	(pc) =	sbr.ind lr, $3  }
0x3a: {  	_ = 	snop  }
0x3b: {  	_ = 	snop  }
0x3c: {  	p2 =	seq.s32 s10, $0x1;
	s10 =	sld [smem:$0x3FB7]  }
0x3d: {  	_ =	shalt  }
0x3e: {  	_ =	shalt  }
0x3f: {  	_ =	shalt  }
0x40: {  	_ =	shalt  }
0x41: {  	_ =	shalt  }
0x42: {  	_ =	shalt  }
0x43: {  	_ =	shalt  }
0x44: {  	_ =	shalt  }
0x45: {  	_ =	shalt  }
0x46: {  	_ =	shalt  }
0x47: {  	_ =	shalt  }
0x48: {  	_ =	shalt  }
0x49: {  	_ =	shalt  }
0x4a: {  	_ =	shalt  }
0x4b: {  	_ =	shalt  }
0x4c: {  	_ =	shalt  }
0x4d: {  	_ =	shalt  }
0x4e: {  	_ =	shalt  }
0x4f: {  	_ =	shalt  }
0x50: {  	_ =	shalt  }
0x51: {  	_ =	shalt  }
0x52: {  	_ =	shalt  }
0x53: {  	_ =	shalt  }
0x54: {  	_ =	shalt  }
0x55: {  	_ =	shalt  }
0x56: {  	_ =	shalt  }
0x57: {  	_ =	shalt  }
0x58: {  	_ =	shalt  }
0x59: {  	_ =	shalt  }
0x5a: {  	_ =	shalt  }
0x5b: {  	_ =	shalt  }
0x5c: {  	_ =	shalt  }
0x5d: {  	_ =	shalt  }
0x5e: {  	_ =	shalt  }
0x5f: {  	_ =	shalt  }
0x60: {  	_ =	shalt  }
0x61: {  	_ =	shalt  }
0x62: {  	_ =	shalt  }
0x63: {  	_ =	shalt  }
0x64: {  	_ =	shalt  }
0x65: {  	_ =	shalt  }
0x66: {  	_ =	shalt  }
0x67: {  	_ =	shalt  }
0x68: {  	_ =	shalt  }
0x69: {  	_ =	shalt  }
0x6a: {  	_ =	shalt  }
0x6b: {  	_ =	shalt  }
0x6c: {  	_ =	shalt  }
0x6d: {  	_ =	shalt  }
0x6e: {  	_ =	shalt  }
0x6f: {  	_ =	shalt  }
0x70: {  	_ =	shalt  }
0x71: {  	_ =	shalt  }
0x72: {  	_ =	shalt  }
0x73: {  	_ =	shalt  }
0x74: {  	_ =	shalt  }
0x75: {  	_ =	shalt  }
0x76: {  	_ =	shalt  }
0x77: {  	_ =	shalt  }
0x78: {  	_ =	shalt  }
0x79: {  	_ =	shalt  }
0x7a: {  	_ =	shalt  }
0x7b: {  	_ =	shalt  }
0x7c: {  	_ =	shalt  }
0x7d: {  	_ =	shalt  }
0x7e: {  	_ =	shalt  }
0x7f: {  	_ =	shalt  }
0x80: {  	_ =	shalt  }
0x81: {  	_ =	shalt  }
0x82: {  	_ =	shalt  }
0x83: {  	_ =	shalt  }
0x84: {  	_ =	shalt  }
0x85: {  	_ =	shalt  }
0x86: {  	_ =	shalt  }
0x87: {  	_ =	shalt  }
.Lfunc_end0:
.L_simem_size_0:
called_computation_lowered:
.L_overlay_start_0:
0x88: {  	s2 =	sld [smem:$0x3FD9]  }
0x89: {  	s3 =	sld [smem:$0x3FFE];
	_ =	sdelay $0x1  }
0x8a: {  	s1 =	srdreg.scid  }
0x8b: {  	s0 =	sand.u32 $0x1, s1  }
0x8c: {  	s17 =	sshll.u32 s0, $0xA;
	s2 =	sadd.s32 s3, s2  }
0x8d: {  	s2 =	sadd.s32 s2, s17  }
0x8e: {  	[smem:$0x3FC3] =	sst s2  }
0x8f: {  	_ = 	snop  }
0x90: {  	s2 =	sld [smem:$0x3FD0];
	(tm) =	ssettm $0x1  }
0x91: {  	s18 =	sld [smem:$0x3FFB];
	_ =	sdelay $0x3  }
0x92: {  	_ =	strace s18  }
0x93: {  	s3 =	sld [smem:$0x3FFC];
	_ =	sdelay $0x3  }
0x94: {  	_ =	strace s3  }
0x95: {  	s3 =	sld [smem:$0x3FFD];
	_ =	sdelay $0x3  }
0x96: {  	_ =	strace s3  }
0x97: {  	_ =	strace $0x8FFFFFFF  }
0x98: {  	s19 =	sld [smem:$0x3FDB];
	_ =	sdelay $0x1  }
0x99: {  	s4 =	simm.s32 $_scs_section_size  }
0x9a: {  	s5 =	simm.s32 $_size__tile_overlayer_lowered;
	s6 =	simm.s32 $_tile_overlayer_lowered  }
0x9b: {  	s22 =	simm.s32 $0x1BFF;
	s21 =	sshll.u32 s6, $0x1;
	s3 =	sadd.s32 s4, s19  }
0x9c: {  	s7 =	simm.s32 $0x0;
	s20 =	sshll.u32 s5, $0x1;
	s5 =	sadd.s32 s21, s3  }
0x9d: {  	[timem:s7], [sflag:s22] =	dma.local [hbm:s5], s20  }
0x9e: {  	_ =	swait.ge [sflag:s22], s20  }
0x9f: {  	s4 =	ssub.s32 $0x0, s20;
	[sflag:s22] =	ssyncset.done $0x0  }
0xa0: {  	[sflag:s22] =	ssyncadd.s32 s4;
	_ =	sdelay $0x1  }
0xa1: {  	s23 =	simm.s32 $0x1B8B  }
0xa2: {  	_ =	swait.ge [sflag:s23], $0x1  }
0xa3: {  	[sflag:s23] =	ssyncset.done $0x0  }
0xa4: {  	s25 =	simm.s32 $0x1B8E;
	s24 =	sld [smem:$0x3FFE];
	[sflag:s23] =	ssyncadd.s32 $0xFFFFFFFF  }
0xa5: {  	s26 =	simm.s32 $execute0_lowered;
	[smem:$0x3FD2] =	sst s25  }
0xa6: {  	s5 =	sshll.u32 s26, $0x1;
	_ =	strace $0x80000046;
	[dreg:$0x1] =	wrdreg $0xFFFFFFFF  }
0xa7: {  	s28 =	simm.s32 $_size_execute0_lowered;
	s3 =	sadd.s32 s3, s5;
	[dreg:$0x0] =	wrdreg $0x0  }
0xa8: {  	s5 =	sshll.u32 s28, $0x1;
	[dreg:$0x2] =	wrdreg s3  }
0xa9: {  	[dreg:$0x3] =	wrdreg s5  }
0xaa: {  	[dreg:$0x4] =	wrdreg $0xC0  }
0xab: {  	_ =	task [dreg:s7], $0x5FFFF  }
0xac: {  	[dreg:$0x1] =	wrdreg $0xFFFFFFFF  }
0xad: {  	[dreg:$0x0] =	wrdreg $0x60  }
0xae: {  	[dreg:$0x2] =	wrdreg s2  }
0xaf: {  	[dreg:$0x3] =	wrdreg s24  }
0xb0: {  	[dreg:$0x4] =	wrdreg $0x0  }
0xb1: {  	[dreg:$0x5] =	wrdreg $0x2800  }
0xb2: {  	[dreg:$0x6] =	wrdreg $0x9  }
0xb3: {  	_ =	task.clear_ibuf [dreg:s7], $0x7FFFF;
	_ =	strace $0x90000046  }
0xb4: {  	s29 =	simm.s32 $0x9;
	_ =	strace $0x80000048  }
0xb5: {  	_ =	swait.ge [sflag:s29], $0x1  }
0xb6: {  	[sflag:s29] =	ssyncadd.s32 $0xFFFFFFFF  }
0xb7: {  	_ =	strace $0x90000048  }
0xb8: {  	_ =	sfence  }
0xb9: {  	s30 =	sld [smem:$0x0];
	_ =	sdelay $0x2  }
0xba: {  	s31 =	sshll.u32 s1, $0xD;
	s1 =	sshrl.u32 s1, $0x2  }
0xbb: {  	s3 =	sand.u32 $0x4000, s31;
	s1 =	sadd.s32 s1, s30  }
0xbc: {  	s0 =	sor.u32 s3, s0;
	s1 =	sshll.u32 s1, $0x11  }
0xbd: {  	s0 =	sor.u32 s1, s0  }
0xbe: {  	s0 =	sadd.s32 $0x8F2B, s0  }
0xbf: {  	[sflag:s0] =	ssyncadd.remote.s32 $0x1  }
0xc0: {  	_ =	sfence.sel $0xFFFF  }
0xc1: {  	[dreg:$0x0] =	wrdreg $0xFFFFFFFF;
	(pc) =	sbr.abs _section_cstart, $3  }
0xc2: {  	[dreg:$0x1] =	wrdreg $0xFFFFFFFF  }
0xc3: {  	_ =	task.clear_ibuf [dreg:s7], $0x2FFFF;
	_ =	strace $0x9FFFFFFF  }
0xc4: {  	(tm) =	ssettm $0x7FFFFFFF  }
0xc5: {  	_ =	shalt  }
tec
execute0_lowered:
.L_overlay_start_1:
0x0: {  	(tag) =	ssettag $0x1  }
0x1: {  	s5 =	rddreg [dreg:$0x0]  }
0x2: {  	s6 =	rddreg [dreg:$0x1]  }
0x3: {  	s2 =	rddreg [dreg:$0x2]  }
0x4: {  	s3 =	rddreg [dreg:$0x3];
	s4 =	srdreg.scid  }
0x5: {  	s1 =	stileid.u32;
	s0 =	rddreg [dreg:$0x4];
	s13 =	simm.s32 $0x1  }
0x6: {  	s14 =	simm.s32 $0x2D00;
	s15 =	simm.s32 $0x5580;
	s16 =	simm.s32 $0x80  }
0x7: {  	s17 =	simm.s32 $0x5500;
	s21 =	simm.s32 $0x0;
	s7 =	sand.u32 $0x1, s4  }
0x8: {  	s8 =	smul.u32 $0x280, s1;
	s4 =	simm.s32 $0x0;
	s18 =	sshll.u32 s1, $0x6  }
0x9: {  	s9 =	sshll.u32 s7, $0x4;
	s10 =	smul.u32 $0x5000, s7;
	[smem:$0x7FF] =	sst s4  }
0xa: {  	s7 =	ssub.s32 $0x2, s7;
	s18 =	sor.u32 $0x1C01, s18;
	s9 =	sor.u32 s1, s9  }
0xb: {  	_ =	strace $0x80000047;
	s11 =	sshrl.u32 s7, $0x1;
	s9 =	smul.u32 $0x500, s9  }
0xc: {  	s10 =	sadd.s32 s8, s10;
	s11 =	ssub.s32 s7, s11;
	s7 =	sadd.s32 s8, s2  }
0xd: {  	s8 =	sadd.s32 s8, s3;
	s10 =	sshrl.u32 s10, $0x3;
	s11 =	smax.u32 s11, $0x1  }
0xe: {  	s19 =	sshrl.u32 s7, $0x3;
	s20 =	sshrl.u32 s8, $0x3;
	s12 =	sadd.s32 s9, s6  }
0xf: {  	s10 =	sadd.s32 s10, s6;
	s5 =	sadd.s32 s5, s9;
	s6 =	sadd.s32 $0x1200, s12  }
0x10: {  	v0 =	vimm.f32 $0.0e+00;
	v1 =	vimm.f32 $1.000000000e+00;
	s9 =	sadd.s32 $0xB200, s10;
	s10 =	sadd.s32 $0xB700, s10;
	s12 =	simm.s32 $0x500  }
.LBB2_1:
0x11: {  	[tilespmem:s12], [sflag:$0x1] =	stream.linear.gather [hbm4b:s5+s4], $0x2780, $0x38;
	[tilespmem:$0x5800] =	vst v63  }
0x12: {  	_ =	swait.ge [sflag:s13], $0x2780  }
0x13: {  	[sflag:s13] =	ssyncset.done $0x0  }
0x14: {  	[sflag:s13] =	ssyncadd.s32 $0xFFFFD880  }
0x15: {  	[tilespmem:s14], [sflag:$0x1] =	stream.linear.gather [hbm4b:s6+s4], $0x2780, $0x38;
	[tilespmem:$0x5800] =	vst v63  }
0x16: {  	_ =	swait.ge [sflag:s13], $0x2780  }
0x17: {  	[sflag:s13] =	ssyncset.done $0x0  }
0x18: {  	[sflag:s13] =	ssyncadd.s32 $0xFFFFD880  }
0x19: {  	[tilespmem:$0x5580] =	vst v0  }
0x1a: {  	[tilespmem:$0x5590] =	vst v0  }
0x1b: {  	[tilespmem:$0x55A0] =	vst v0  }
0x1c: {  	[tilespmem:$0x55B0] =	vst v0  }
0x1d: {  	[tilespmem:$0x55C0] =	vst v0  }
0x1e: {  	[tilespmem:$0x55D0] =	vst v0  }
0x1f: {  	[tilespmem:$0x55E0] =	vst v0  }
0x20: {  	[tilespmem:$0x55F0] =	vst v0  }
0x21: {  	[tilespmem:$0x5600] =	vst v0  }
0x22: {  	[tilespmem:$0x5610] =	vst v0  }
0x23: {  	[tilespmem:$0x5620] =	vst v0  }
0x24: {  	[tilespmem:$0x5630] =	vst v0  }
0x25: {  	[tilespmem:$0x5640] =	vst v0  }
0x26: {  	[tilespmem:$0x5650] =	vst v0  }
0x27: {  	[tilespmem:$0x5660] =	vst v0  }
0x28: {  	[tilespmem:$0x5670] =	vst v0  }
0x29: {  	[tilespmem:$0x5680] =	vst v0  }
0x2a: {  	[tilespmem:$0x5690] =	vst v0  }
0x2b: {  	[tilespmem:$0x56A0] =	vst v0  }
0x2c: {  	[tilespmem:$0x56B0] =	vst v0  }
0x2d: {  	[tilespmem:$0x56C0] =	vst v0  }
0x2e: {  	[tilespmem:$0x56D0] =	vst v0  }
0x2f: {  	[tilespmem:$0x56E0] =	vst v0  }
0x30: {  	[tilespmem:$0x56F0] =	vst v0  }
0x31: {  	[tilespmem:$0x5700] =	vst v0  }
0x32: {  	[tilespmem:$0x5710] =	vst v0  }
0x33: {  	[tilespmem:$0x5720] =	vst v0  }
0x34: {  	[tilespmem:$0x5730] =	vst v0  }
0x35: {  	[tilespmem:$0x5740] =	vst v0  }
0x36: {  	[tilespmem:$0x5750] =	vst v0  }
0x37: {  	[tilespmem:$0x5760] =	vst v0  }
0x38: {  	[tilespmem:$0x5770] =	vst v0  }
0x39: {  	[tilespmem:$0x5780] =	vst v0  }
0x3a: {  	[tilespmem:$0x5790] =	vst v0  }
0x3b: {  	[tilespmem:$0x57A0] =	vst v0  }
0x3c: {  	[tilespmem:$0x57B0] =	vst v0  }
0x3d: {  	[tilespmem:$0x57C0] =	vst v0  }
0x3e: {  	[tilespmem:$0x57D0] =	vst v0  }
0x3f: {  	[tilespmem:$0x57E0] =	vst v0  }
0x40: {  	[tilespmem:$0x57F0] =	vst v0  }
0x41: {  	[spmem:s7] =	stream.linear.scatter [tilespmem:s15], [sflag:$0x1], $0x280, $0x38;
	[tilespmem:$0x5800] =	vst v63  }
0x42: {  	_ =	swait.ge [sflag:s13], $0x280  }
0x43: {  	[sflag:s13] =	ssyncset.done $0x0  }
0x44: {  	[sflag:s13] =	ssyncadd.s32 $0xFFFFFD80  }
0x45: {  	[spmem:s8] =	stream.linear.scatter [tilespmem:s15], [sflag:$0x1], $0x280, $0x38;
	[tilespmem:$0x5800] =	vst v63  }
0x46: {  	_ =	swait.ge [sflag:s13], $0x280  }
0x47: {  	[sflag:s13] =	ssyncset.done $0x0  }
0x48: {  	[sflag:s13] =	ssyncadd.s32 $0xFFFFFD80  }
0x49: {  	[tilespmem:$0x5500] =	vst v1  }
0x4a: {  	[tilespmem:$0x5510] =	vst v1  }
0x4b: {  	[tilespmem:$0x5520] =	vst v1  }
0x4c: {  	[tilespmem:$0x5530] =	vst v1  }
0x4d: {  	[tilespmem:$0x5540] =	vst v1  }
0x4e: {  	[tilespmem:$0x5550] =	vst v1  }
0x4f: {  	[tilespmem:$0x5560] =	vst v1  }
0x50: {  	[tilespmem:$0x5570] =	vst v1  }
0x51: {  	s22 =	simm.s32 $0x500;
	[bflag:$0x0] =	sbarrier.arrive $0xFFFF  }
0x52: {  	[spmem:s2] =	stream.indirect.scatter.add.f32 [tilespmem:s17], [sflag:$0x1], $0x1, s22, s16, $0xb8;
	[tilespmem:$0x5800] =	vst v63  }
0x53: {  	_ =	swait.ge [sflag:s13], $0x80  }
0x54: {  	[sflag:s13] =	ssyncset.done $0x0  }
0x55: {  	s31 =	simm.s32 $0x2D00;
	[sflag:s13] =	ssyncadd.s32 $0xFFFFFF80  }
0x56: {  	[spmem:s3] =	stream.indirect.scatter.add.f32 [tilespmem:s17], [sflag:$0x1], $0x1, s31, s16, $0xb8;
	[tilespmem:$0x5800] =	vst v63  }
0x57: {  	_ =	swait.ge [sflag:s13], $0x80  }
0x58: {  	s23 =	simm.s32 $0x400;
	s22 =	simm.s32 $0x80;
	[sflag:s13] =	ssyncset.done $0x0  }
.LBB2_2:
0x59: {  	s24 =	sadd.s32 $0x500, s22  }
0x5a: {  	[sflag:s13] =	ssyncadd.s32 $0xFFFFFF80;
	s25 =	smov.u32 s23;
	s26 =	sadd.s32 $0x200, s23  }
0x5b: {  	[spmem:s2] =	stream.indirect.scatter.add.f32 [tilespmem:s17], [sflag:$0x1], $0x1, s24, s16, $0xb8;
	[tilespmem:$0x5800] =	vst v63  }
0x5c: {  	p0 =	sne.s32 s23, $0x9C00;
	_ =	swait.ge [sflag:s13], $0x80  }
.Ltmp0:
0x5d: {  	[sflag:s13] =	ssyncset.done $0x0;
	(pc) =	sbr.rel @p0 .LBB2_2-.Ltmp0, $4  }
0x5e: {  	s22 =	sadd.s32 $0x2D00, s22;
	[sflag:s13] =	ssyncadd.s32 $0xFFFFFF80  }
0x5f: {  	[spmem:s3] =	stream.indirect.scatter.add.f32 [tilespmem:s17], [sflag:$0x1], $0x1, s22, s16, $0xb8;
	[tilespmem:$0x5800] =	vst v63  }
0x60: {  	_ =	swait.ge [sflag:s13], $0x80  }
0x61: {  	s23 =	smov.u32 s26;
	s22 =	sshra.s32 s25, $0x2;
	[sflag:s13] =	ssyncset.done $0x0  }
0x62: {  	s23 =	sadd.s32 $0x500, s22;
	[sflag:s13] =	ssyncadd.s32 $0xFFFFFF80  }
0x63: {  	[spmem:s2] =	stream.indirect.scatter.add.f32 [tilespmem:s17], [sflag:$0x1], $0x1, s23, s16, $0xb8;
	[tilespmem:$0x5800] =	vst v63  }
0x64: {  	_ =	swait.ge [sflag:s13], $0x80  }
0x65: {  	[sflag:s13] =	ssyncset.done $0x0  }
0x66: {  	s31 =	sadd.s32 $0x2D00, s22;
	[sflag:s13] =	ssyncadd.s32 $0xFFFFFF80  }
0x67: {  	[spmem:s3] =	stream.indirect.scatter.add.f32 [tilespmem:s17], [sflag:$0x1], $0x1, s31, s16, $0xb8;
	[tilespmem:$0x5800] =	vst v63  }
0x68: {  	_ =	swait.ge [sflag:s13], $0x80  }
0x69: {  	[sflag:s13] =	ssyncset.done $0x0  }
0x6a: {  	[sflag:s13] =	ssyncadd.s32 $0xFFFFFF80  }
0x6b: {  	[bflag:$0x0] =	sbarrier.arrive $0xFFFF  }
0x6c: {  	[hbm:s9], [sflag:s18] =	dma.local [spmem:s19], $0x50  }
0x6d: {  	s21 =	sadd.s32 $0x1, s21;
	_ =	swait.ge [sflag:s13], $0x50  }
0x6e: {  	p0 =	sne.s32 s21, s11;
	[sflag:s13] =	ssyncset.done $0x0  }
.Ltmp1:
0x6f: {  	[sflag:s13] =	ssyncadd.s32 $0xFFFFFFB0;
	(pc) =	sbr.rel @p0 .LBB2_1-.Ltmp1, $4  }
0x70: {  	[hbm:s10], [sflag:s18] =	dma.local [spmem:s20], $0x50  }
0x71: {  	_ =	swait.ge [sflag:s13], $0x50  }
0x72: {  	[sflag:s13] =	ssyncset.done $0x0  }
0x73: {  	[sflag:s13] =	ssyncadd.s32 $0xFFFFFFB0  }
0x74: {  	_ =	sfence.sel $0x180000  }
0x75: {  	[bflag:$0x0] =	sbarrier.arrive $0xFFFF  }
0x76: {  	p0 =	sne.s32 s1, $0x0;
	_ =	strace $0x90000047  }
0x77: {  	s0 =	sadd.s32 @!p0 $0x100000, s0;
	[bflag:$0x2] =	sbarrier.arrive $0xFFFF  }
0x78: {  	[sflag:s0] =	ssyncadd.tile.s32 @!p0 $0x1;
	_ =	shalt  }
.Lfunc_end2:
_tile_overlayer_lowered:
.L_overlay_start_2:
0x79: {  	(tag) =	ssettag $0x2  }
0x7a: {  	s0 =	rddreg [dreg:$0x0];
	s2 =	stileid.u32  }
0x7b: {  	s1 =	rddreg [dreg:$0x1];
	p0 =	sne.s32 s2, $0x0  }
0x7c: {  	s3 =	rddreg [dreg:$0x2];
	[bflag:$0x3] =	sbarrier.arrive $0xFFFF;
	s2 =	simm.s32 @!p0 $0x1C01  }
0x7d: {  	[timem:s3], [sflag:s2] =	dma.local @!p0 [hbm:s0], s1  }
0x7e: {  	s0 =	simm.s32 @!p0 $0x1  }
0x7f: {  	_ =	swait.ge @!p0 [sflag:s0], s1  }
0x80: {  	s1 =	ssub.s32 @!p0 $0x0, s1;
	[sflag:s0] =	ssyncset.done @!p0 $0x0  }
0x81: {  	[sflag:s0] =	ssyncadd.s32 @!p0 s1  }
0x82: {  	[bflag:$0x3] =	sbarrier.arrive $0xFFFF  }
0x83: {  	_ =	shalt  }

// kernel: kernel.9.cloned.1.call-start
scs
__scs_entry_jumppad:
0x0: {  	(pc) =	sbr.rel $0x88, $3  }
0x1: {  	(tag) =	ssettag $0x0;
	lr =	simm.s32 $0x1  }
0x2: {  	[smem:$0x3F9C] =	sst lr;
	_ =	strace $0xD0000000  }
0x3: {  	_ = 	snop  }
0x4: {  	_ = 	snop  }
0x5: {  	_ = 	snop  }
0x6: {  	_ = 	snop  }
0x7: {  	_ = 	snop  }
__scs_overlays_trampoline_lowered:
0x8: {  	[smem:$0x3FAB] =	sst s0  }
0x9: {  	[smem:$0x3FAC] =	sst s1  }
0xa: {  	[smem:$0x3FAD] =	sst s2  }
0xb: {  	[smem:$0x3FAE] =	sst s3  }
0xc: {  	[smem:$0x3FAF] =	sst s4  }
0xd: {  	[smem:$0x3FB0] =	sst s5  }
0xe: {  	[smem:$0x3FB1] =	sst s6  }
0xf: {  	[smem:$0x3FB2] =	sst s7  }
0x10: {  	[smem:$0x3FB3] =	sst s8  }
0x11: {  	[smem:$0x3FB4] =	sst s9;
	s0 =	simm.s32 @!p0 $0x0  }
0x12: {  	s1 =	sld [smem:$0x3F9A];
	s0 =	simm.s32 @p0 $0x1  }
0x13: {  	[smem:$0x3FB5] =	sst s0;
	s0 =	simm.s32 @!p1 $0x0  }
0x14: {  	s2 =	sld [smem:$0x3F99];
	s0 =	simm.s32 @p1 $0x1  }
0x15: {  	[smem:$0x3FB6] =	sst s0;
	s0 =	simm.s32 @!p2 $0x0  }
0x16: {  	s3 =	sld [smem:$0x3FDB];
	s0 =	simm.s32 @p2 $0x1  }
0x17: {  	s4 =	simm.s32 $0x1BF5;
	[smem:$0x3FB8] =	sst s0  }
0x18: {  	s0 =	sld [smem:$0x3F9B];
	_ =	swait.ge [sflag:s4], $0x0  }
0x19: {  	s7 =	sld [smem:$0x3F9C]  }
0x1a: {  	s8 =	sadd.s32 $0xFFFFE003, lr  }
0x1b: {  	s9 =	sadd.s32 $0xFFFFFEF7, lr;
	s5 =	simm.s32 $0xFFFFFFFF;
	p2 =	slt.u32 s8, $0xFFFFF086  }
0x1c: {  	p1 =	slt.u32 s9, $0xF7A;
	s5 =	simm.s32 @!p2 $0x0  }
0x1d: {  	s5 =	simm.s32 @p1 $0x1;
	p0 =	seq.s32 s7, s2  }
0x1e: {  	s7 =	smul.u32 @!p0 $0xF7A, s2;
	p2 =	seq.s32 @!p0 s5, $0x0  }
0x1f: {  	s9 =	smul.u32 $0xF7A, s1;
	s8 =	simm.s32 @!p0 $0x1BF5;
	p2 =	por !p2, p0  }
0x20: {  	[sflag:s8] =	ssyncset.s32 @!p0 $0xFFFFF086;
	s6 =	sadd.s32 @!p0 s3, s7;
	s7 =	simm.s32 @!p0 $0x108  }
0x21: {  	s3 =	sadd.s32 s3, s9;
	s6 =	sadd.s32 @!p0 $0x88, s6;
	s7 =	simm.s32 @p2 $0x1082  }
0x22: {  	[simem:s7], [sflag:s8] =	dma.local @!p0 [hbm:s6], $0xF7A  }
0x23: {  	s9 =	sor.u32 $0xD0000000, s2;
	s6 =	simm.s32 $0x108;
	_ =	swait.ge @!p0 [sflag:s8], $0x0  }
0x24: {  	s3 =	sadd.s32 $0x88, s3;
	s6 =	simm.s32 @!p1 $0x1082;
	[sflag:s4] =	ssyncset.s32 $0xFFFFF086  }
0x25: {  	[simem:s6], [sflag:s4] =	dma.local [hbm:s3], $0xF7A  }
0x26: {  	[smem:$0x3F9C] =	sst s1;
	(tag) =	ssettag s2;
	_ =	strace s9  }
0x27: {  	s1 =	sld [smem:$0x3FAC]  }
0x28: {  	s2 =	sld [smem:$0x3FAD]  }
0x29: {  	s4 =	sld [smem:$0x3FAF]  }
0x2a: {  	p0 =	seq.s32 s5, $0x0;
	s5 =	sld [smem:$0x3FB0]  }
0x2b: {  	s6 =	sld [smem:$0x3FB1]  }
0x2c: {  	s7 =	sld [smem:$0x3FB2]  }
0x2d: {  	s3 =	simm.s32 $0x108;
	s8 =	sld [smem:$0x3FB3]  }
0x2e: {  	s3 =	simm.s32 @!p0 $0x1082;
	s9 =	sld [smem:$0x3FB4]  }
0x2f: {  	lr =	sadd.s32 s0, s3;
	s0 =	sld [smem:$0x3FAB]  }
0x30: {  	s3 =	sld [smem:$0x3FAE]  }
0x31: {  	[smem:$0x3FB7] =	sst s10  }
0x32: {  	s10 =	sld [smem:$0x3FB5];
	_ =	sdelay $0x3  }
0x33: {  	p0 =	seq.s32 s10, $0x1;
	s10 =	sld [smem:$0x3FB7];
	_ =	sdelay $0x3  }
0x34: {  	[smem:$0x3FB7] =	sst s10  }
0x35: {  	s10 =	sld [smem:$0x3FB6];
	_ =	sdelay $0x3  }
0x36: {  	p1 =	seq.s32 s10, $0x1;
	s10 =	sld [smem:$0x3FB7];
	_ =	sdelay $0x3  }
0x37: {  	[smem:$0x3FB7] =	sst s10  }
0x38: {  	s10 =	sld [smem:$0x3FB8]  }
0x39: {  	_ = 	snop;
	(pc) =	sbr.ind lr, $3  }
0x3a: {  	_ = 	snop  }
0x3b: {  	_ = 	snop  }
0x3c: {  	p2 =	seq.s32 s10, $0x1;
	s10 =	sld [smem:$0x3FB7]  }
0x3d: {  	_ =	shalt  }
0x3e: {  	_ =	shalt  }
0x3f: {  	_ =	shalt  }
0x40: {  	_ =	shalt  }
0x41: {  	_ =	shalt  }
0x42: {  	_ =	shalt  }
0x43: {  	_ =	shalt  }
0x44: {  	_ =	shalt  }
0x45: {  	_ =	shalt  }
0x46: {  	_ =	shalt  }
0x47: {  	_ =	shalt  }
0x48: {  	_ =	shalt  }
0x49: {  	_ =	shalt  }
0x4a: {  	_ =	shalt  }
0x4b: {  	_ =	shalt  }
0x4c: {  	_ =	shalt  }
0x4d: {  	_ =	shalt  }
0x4e: {  	_ =	shalt  }
0x4f: {  	_ =	shalt  }
0x50: {  	_ =	shalt  }
0x51: {  	_ =	shalt  }
0x52: {  	_ =	shalt  }
0x53: {  	_ =	shalt  }
0x54: {  	_ =	shalt  }
0x55: {  	_ =	shalt  }
0x56: {  	_ =	shalt  }
0x57: {  	_ =	shalt  }
0x58: {  	_ =	shalt  }
0x59: {  	_ =	shalt  }
0x5a: {  	_ =	shalt  }
0x5b: {  	_ =	shalt  }
0x5c: {  	_ =	shalt  }
0x5d: {  	_ =	shalt  }
0x5e: {  	_ =	shalt  }
0x5f: {  	_ =	shalt  }
0x60: {  	_ =	shalt  }
0x61: {  	_ =	shalt  }
0x62: {  	_ =	shalt  }
0x63: {  	_ =	shalt  }
0x64: {  	_ =	shalt  }
0x65: {  	_ =	shalt  }
0x66: {  	_ =	shalt  }
0x67: {  	_ =	shalt  }
0x68: {  	_ =	shalt  }
0x69: {  	_ =	shalt  }
0x6a: {  	_ =	shalt  }
0x6b: {  	_ =	shalt  }
0x6c: {  	_ =	shalt  }
0x6d: {  	_ =	shalt  }
0x6e: {  	_ =	shalt  }
0x6f: {  	_ =	shalt  }
0x70: {  	_ =	shalt  }
0x71: {  	_ =	shalt  }
0x72: {  	_ =	shalt  }
0x73: {  	_ =	shalt  }
0x74: {  	_ =	shalt  }
0x75: {  	_ =	shalt  }
0x76: {  	_ =	shalt  }
0x77: {  	_ =	shalt  }
0x78: {  	_ =	shalt  }
0x79: {  	_ =	shalt  }
0x7a: {  	_ =	shalt  }
0x7b: {  	_ =	shalt  }
0x7c: {  	_ =	shalt  }
0x7d: {  	_ =	shalt  }
0x7e: {  	_ =	shalt  }
0x7f: {  	_ =	shalt  }
0x80: {  	_ =	shalt  }
0x81: {  	_ =	shalt  }
0x82: {  	_ =	shalt  }
0x83: {  	_ =	shalt  }
0x84: {  	_ =	shalt  }
0x85: {  	_ =	shalt  }
0x86: {  	_ =	shalt  }
0x87: {  	_ =	shalt  }
.Lfunc_end0:
.L_simem_size_0:
called_computation.1_lowered:
.L_overlay_start_0:
0x88: {  	s2 =	sld [smem:$0x3FD9]  }
0x89: {  	s3 =	sld [smem:$0x3FFE];
	_ =	sdelay $0x1  }
0x8a: {  	s1 =	srdreg.scid  }
0x8b: {  	s0 =	sand.u32 $0x1, s1  }
0x8c: {  	s17 =	sshll.u32 s0, $0xA;
	s2 =	sadd.s32 s3, s2  }
0x8d: {  	s2 =	sadd.s32 s2, s17  }
0x8e: {  	[smem:$0x3FC3] =	sst s2  }
0x8f: {  	_ = 	snop  }
0x90: {  	s2 =	sld [smem:$0x3FD0];
	(tm) =	ssettm $0x1  }
0x91: {  	s18 =	sld [smem:$0x3FFB];
	_ =	sdelay $0x3  }
0x92: {  	_ =	strace s18  }
0x93: {  	s3 =	sld [smem:$0x3FFC];
	_ =	sdelay $0x3  }
0x94: {  	_ =	strace s3  }
0x95: {  	s3 =	sld [smem:$0x3FFD];
	_ =	sdelay $0x3  }
0x96: {  	_ =	strace s3  }
0x97: {  	_ =	strace $0x8FFFFFFF  }
0x98: {  	s19 =	sld [smem:$0x3FDB];
	_ =	sdelay $0x1  }
0x99: {  	s4 =	simm.s32 $_scs_section_size  }
0x9a: {  	s5 =	simm.s32 $_size__tile_overlayer_lowered;
	s6 =	simm.s32 $_tile_overlayer_lowered  }
0x9b: {  	s22 =	simm.s32 $0x1BFF;
	s21 =	sshll.u32 s6, $0x1;
	s3 =	sadd.s32 s4, s19  }
0x9c: {  	s7 =	simm.s32 $0x0;
	s20 =	sshll.u32 s5, $0x1;
	s5 =	sadd.s32 s21, s3  }
0x9d: {  	[timem:s7], [sflag:s22] =	dma.local [hbm:s5], s20  }
0x9e: {  	_ =	swait.ge [sflag:s22], s20  }
0x9f: {  	s4 =	ssub.s32 $0x0, s20;
	[sflag:s22] =	ssyncset.done $0x0  }
0xa0: {  	[sflag:s22] =	ssyncadd.s32 s4;
	_ =	sdelay $0x1  }
0xa1: {  	s23 =	simm.s32 $0x1B8B  }
0xa2: {  	_ =	swait.ge [sflag:s23], $0x1  }
0xa3: {  	[sflag:s23] =	ssyncset.done $0x0  }
0xa4: {  	s25 =	simm.s32 $0x1B8E;
	s24 =	sld [smem:$0x3FFE];
	[sflag:s23] =	ssyncadd.s32 $0xFFFFFFFF  }
0xa5: {  	s26 =	simm.s32 $execute0_lowered;
	[smem:$0x3FD2] =	sst s25  }
0xa6: {  	s5 =	sshll.u32 s26, $0x1;
	_ =	strace $0x80000049;
	[dreg:$0x1] =	wrdreg $0xFFFFFFFF  }
0xa7: {  	s28 =	simm.s32 $_size_execute0_lowered;
	s3 =	sadd.s32 s3, s5;
	[dreg:$0x0] =	wrdreg $0x0  }
0xa8: {  	s5 =	sshll.u32 s28, $0x1;
	[dreg:$0x2] =	wrdreg s3  }
0xa9: {  	[dreg:$0x3] =	wrdreg s5  }
0xaa: {  	[dreg:$0x4] =	wrdreg $0xC0  }
0xab: {  	_ =	task [dreg:s7], $0x5FFFF  }
0xac: {  	[dreg:$0x1] =	wrdreg $0xFFFFFFFF  }
0xad: {  	[dreg:$0x0] =	wrdreg $0x60  }
0xae: {  	[dreg:$0x2] =	wrdreg s24  }
0xaf: {  	[dreg:$0x3] =	wrdreg s2  }
0xb0: {  	[dreg:$0x4] =	wrdreg $0x0  }
0xb1: {  	[dreg:$0x5] =	wrdreg $0x9  }
0xb2: {  	_ =	task.clear_ibuf [dreg:s7], $0x6FFFF;
	_ =	strace $0x90000049  }
0xb3: {  	s29 =	simm.s32 $0x9;
	_ =	strace $0x8000004B  }
0xb4: {  	_ =	swait.ge [sflag:s29], $0x1  }
0xb5: {  	[sflag:s29] =	ssyncadd.s32 $0xFFFFFFFF  }
0xb6: {  	_ =	strace $0x9000004B  }
0xb7: {  	_ =	sfence  }
0xb8: {  	s30 =	sld [smem:$0x0];
	_ =	sdelay $0x2  }
0xb9: {  	s31 =	sshll.u32 s1, $0xD;
	s1 =	sshrl.u32 s1, $0x2  }
0xba: {  	s3 =	sand.u32 $0x4000, s31;
	s1 =	sadd.s32 s1, s30  }
0xbb: {  	s0 =	sor.u32 s3, s0;
	s1 =	sshll.u32 s1, $0x11  }
0xbc: {  	s0 =	sor.u32 s1, s0  }
0xbd: {  	s0 =	sadd.s32 $0x8F2B, s0  }
0xbe: {  	[sflag:s0] =	ssyncadd.remote.s32 $0x1  }
0xbf: {  	_ =	sfence.sel $0xFFFF  }
0xc0: {  	[dreg:$0x0] =	wrdreg $0xFFFFFFFF;
	(pc) =	sbr.abs _section_cstart, $3  }
0xc1: {  	[dreg:$0x1] =	wrdreg $0xFFFFFFFF  }
0xc2: {  	_ =	task.clear_ibuf [dreg:s7], $0x2FFFF;
	_ =	strace $0x9FFFFFFF  }
0xc3: {  	(tm) =	ssettm $0x7FFFFFFF  }
tec
execute0_lowered:
.L_overlay_start_1:
0x0: {  	(tag) =	ssettag $0x1  }
0x1: {  	s6 =	rddreg [dreg:$0x0]  }
0x2: {  	s7 =	rddreg [dreg:$0x1]  }
0x3: {  	s0 =	srdreg.scid;
	s2 =	rddreg [dreg:$0x2];
	s3 =	simm.s32 $0x0  }
0x4: {  	s15 =	simm.s32 $0x2;
	s16 =	simm.s32 $0x16800;
	s17 =	simm.s32 $0x19000  }
0x5: {  	s18 =	simm.s32 $0x80;
	s19 =	simm.s32 $0x1;
	s5 =	sand.u32 $0x1, s0  }
0x6: {  	s22 =	simm.s32 $0x0;
	s0 =	stileid.u32;
	s9 =	smul.u32 $0x140000, s5  }
0x7: {  	[smem:$0x7FF] =	sst s3;
	s4 =	sadd.s32 $0xB200, s6;
	s10 =	smul.u32 $0x14000, s0  }
0x8: {  	s1 =	sshll.u32 s5, $0x4;
	s11 =	smul.u32 $0x50000, s0;
	s5 =	ssub.s32 $0x2, s5  }
0x9: {  	s20 =	sshll.u32 s0, $0x6;
	s1 =	sor.u32 s0, s1;
	s31 =	sshrl.u32 s5, $0x1  }
0xa: {  	s20 =	sor.u32 $0x1C02, s20;
	s8 =	smul.u32 $0x500, s1;
	s1 =	rddreg [dreg:$0x3]  }
0xb: {  	_ =	strace $0x8000004A;
	s9 =	sadd.s32 s10, s9;
	s11 =	sshrl.u32 s11, $0x2  }
0xc: {  	s14 =	ssub.s32 s5, s31;
	s9 =	sshrl.u32 s9, $0x3;
	s5 =	sadd.s32 s11, s2  }
0xd: {  	s12 =	sadd.s32 s8, s6;
	s13 =	sadd.s32 s9, s6;
	s6 =	sadd.s32 s7, s8  }
0xe: {  	s8 =	sadd.s32 $0x4000, s5;
	s9 =	sadd.s32 $0x8000, s5;
	s10 =	sadd.s32 $0xC000, s5  }
0xf: {  	s11 =	sadd.s32 $0x10000, s5;
	s21 =	sshrl.u32 s5, $0x3;
	s7 =	sadd.s32 $0x1200, s12  }
0x10: {  	v0 =	vimm.f32 $0.0e+00;
	s12 =	sadd.s32 $0x33200, s13;
	s13 =	smax.u32 s14, $0x1;
	s14 =	simm.s32 $0x14000  }
.LBB2_1:
0x11: {  	[tilespmem:s14], [sflag:$0x2] =	stream.linear.gather [hbm4b:s6+s3], $0x2780, $0x38;
	[tilespmem:$0x1D000] =	vst v63  }
0x12: {  	_ =	swait.ge [sflag:s15], $0x2780  }
0x13: {  	[sflag:s15] =	ssyncset.done $0x0  }
0x14: {  	[sflag:s15] =	ssyncadd.s32 $0xFFFFD880  }
0x15: {  	[tilespmem:s16], [sflag:$0x2] =	stream.linear.gather [hbm4b:s7+s3], $0x2780, $0x38;
	[tilespmem:$0x1D000] =	vst v63  }
0x16: {  	_ =	swait.ge [sflag:s15], $0x2780  }
0x17: {  	[sflag:s15] =	ssyncset.done $0x0  }
0x18: {  	s23 =	simm.s32 $0x0;
	s24 =	simm.s32 $0x200;
	[sflag:s15] =	ssyncadd.s32 $0xFFFFD880  }
.LBB2_2:
0x19: {  	p0 =	sne.s32 s24, $0xFE00;
	[tilespmem:s23+$0x19070] =	vst v0  }
0x1a: {  	[tilespmem:s23+$0x19000] =	vst v0  }
0x1b: {  	[tilespmem:s23+$0x19010] =	vst v0  }
.Ltmp0:
0x1c: {  	[tilespmem:s23+$0x19020] =	vst v0;
	(pc) =	sbr.rel @p0 .LBB2_2-.Ltmp0, $4  }
0x1d: {  	[tilespmem:s23+$0x19030] =	vst v0  }
0x1e: {  	[tilespmem:s23+$0x19040] =	vst v0  }
0x1f: {  	[tilespmem:s23+$0x19050] =	vst v0  }
0x20: {  	[tilespmem:s23+$0x19060] =	vst v0;
	s23 =	sshra.s32 s24, $0x2;
	s24 =	sadd.s32 $0x200, s24  }
0x21: {  	[tilespmem:s23+$0x19070] =	vst v0  }
0x22: {  	[tilespmem:s23+$0x19000] =	vst v0  }
0x23: {  	[tilespmem:s23+$0x19010] =	vst v0  }
0x24: {  	[tilespmem:s23+$0x19020] =	vst v0  }
0x25: {  	[tilespmem:s23+$0x19030] =	vst v0  }
0x26: {  	[tilespmem:s23+$0x19040] =	vst v0  }
0x27: {  	[tilespmem:s23+$0x19050] =	vst v0  }
0x28: {  	[tilespmem:s23+$0x19060] =	vst v0  }
0x29: {  	[spmem:s5] =	stream.linear.scatter [tilespmem:s17], [sflag:$0x2], $0x4000, $0x38;
	[tilespmem:$0x1D000] =	vst v63  }
0x2a: {  	_ =	swait.ge [sflag:s15], $0x4000  }
0x2b: {  	[sflag:s15] =	ssyncset.done $0x0  }
0x2c: {  	[sflag:s15] =	ssyncadd.s32 $0xFFFFC000  }
0x2d: {  	[spmem:s8] =	stream.linear.scatter [tilespmem:s17], [sflag:$0x2], $0x4000, $0x38;
	[tilespmem:$0x1D000] =	vst v63  }
0x2e: {  	_ =	swait.ge [sflag:s15], $0x4000  }
0x2f: {  	[sflag:s15] =	ssyncset.done $0x0  }
0x30: {  	[sflag:s15] =	ssyncadd.s32 $0xFFFFC000  }
0x31: {  	[spmem:s9] =	stream.linear.scatter [tilespmem:s17], [sflag:$0x2], $0x4000, $0x38;
	[tilespmem:$0x1D000] =	vst v63  }
0x32: {  	_ =	swait.ge [sflag:s15], $0x4000  }
0x33: {  	[sflag:s15] =	ssyncset.done $0x0  }
0x34: {  	[sflag:s15] =	ssyncadd.s32 $0xFFFFC000  }
0x35: {  	[spmem:s10] =	stream.linear.scatter [tilespmem:s17], [sflag:$0x2], $0x4000, $0x38;
	[tilespmem:$0x1D000] =	vst v63  }
0x36: {  	_ =	swait.ge [sflag:s15], $0x4000  }
0x37: {  	[sflag:s15] =	ssyncset.done $0x0  }
0x38: {  	[sflag:s15] =	ssyncadd.s32 $0xFFFFC000  }
0x39: {  	[spmem:s11] =	stream.linear.scatter [tilespmem:s17], [sflag:$0x2], $0x4000, $0x38;
	[tilespmem:$0x1D000] =	vst v63  }
0x3a: {  	_ =	swait.ge [sflag:s15], $0x4000  }
0x3b: {  	[sflag:s15] =	ssyncset.done $0x0  }
0x3c: {  	[sflag:s15] =	ssyncadd.s32 $0xFFFFC000  }
0x3d: {  	s30 =	simm.s32 $0x14000;
	[bflag:$0x0] =	sbarrier.arrive $0xFFFF  }
0x3e: {  	[tilespmem:s17], [sflag:$0x1] =	stream.indirect.gather [hbm4b:s4+s18], $0x80, s30, s18, $0xb8;
	[tilespmem:$0x1D000] =	vst v63  }
0x3f: {  	_ =	swait.ge [sflag:s19], $0x4000  }
0x40: {  	[sflag:s19] =	ssyncset.done $0x0  }
0x41: {  	s31 =	simm.s32 $0x16800;
	[sflag:s19] =	ssyncadd.s32 $0xFFFFC000  }
0x42: {  	[spmem:s2] =	stream.indirect.scatter.add.f32 [tilespmem:s17], [sflag:$0x2], $0x80, s31, s18, $0xb8;
	[tilespmem:$0x1D000] =	vst v63  }
0x43: {  	_ =	swait.ge [sflag:s15], $0x4000  }
0x44: {  	s24 =	simm.s32 $0x400;
	s23 =	simm.s32 $0x80;
	[sflag:s15] =	ssyncset.done $0x0  }
.LBB2_4:
0x45: {  	s25 =	sadd.s32 $0x14000, s23  }
0x46: {  	[sflag:s15] =	ssyncadd.s32 $0xFFFFC000;
	s26 =	smov.u32 s24;
	s28 =	sadd.s32 $0x200, s24  }
0x47: {  	[tilespmem:s17], [sflag:$0x1] =	stream.indirect.gather [hbm4b:s4+s18], $0x80, s25, s18, $0xb8;
	[tilespmem:$0x1D000] =	vst v63  }
0x48: {  	p0 =	sne.s32 s24, $0x9C00;
	_ =	swait.ge [sflag:s19], $0x4000  }
.Ltmp1:
0x49: {  	[sflag:s19] =	ssyncset.done $0x0;
	(pc) =	sbr.rel @p0 .LBB2_4-.Ltmp1, $4  }
0x4a: {  	s23 =	sadd.s32 $0x16800, s23;
	[sflag:s19] =	ssyncadd.s32 $0xFFFFC000  }
0x4b: {  	[spmem:s2] =	stream.indirect.scatter.add.f32 [tilespmem:s17], [sflag:$0x2], $0x80, s23, s18, $0xb8;
	[tilespmem:$0x1D000] =	vst v63  }
0x4c: {  	_ =	swait.ge [sflag:s15], $0x4000  }
0x4d: {  	s24 =	smov.u32 s28;
	s23 =	sshra.s32 s26, $0x2;
	[sflag:s15] =	ssyncset.done $0x0  }
0x4e: {  	s24 =	sadd.s32 $0x14000, s23;
	[sflag:s15] =	ssyncadd.s32 $0xFFFFC000  }
0x4f: {  	[tilespmem:s17], [sflag:$0x1] =	stream.indirect.gather [hbm4b:s4+s18], $0x80, s24, s18, $0xb8;
	[tilespmem:$0x1D000] =	vst v63  }
0x50: {  	_ =	swait.ge [sflag:s19], $0x4000  }
0x51: {  	[sflag:s19] =	ssyncset.done $0x0  }
0x52: {  	s31 =	sadd.s32 $0x16800, s23;
	[sflag:s19] =	ssyncadd.s32 $0xFFFFC000  }
0x53: {  	[spmem:s2] =	stream.indirect.scatter.add.f32 [tilespmem:s17], [sflag:$0x2], $0x80, s31, s18, $0xb8;
	[tilespmem:$0x1D000] =	vst v63  }
0x54: {  	_ =	swait.ge [sflag:s15], $0x4000  }
0x55: {  	s22 =	sadd.s32 $0x1, s22;
	[sflag:s15] =	ssyncset.done $0x0  }
0x56: {  	p0 =	sne.s32 s22, s13;
	[sflag:s15] =	ssyncadd.s32 $0xFFFFC000  }
.Ltmp2:
0x57: {  	[bflag:$0x0] =	sbarrier.arrive $0xFFFF;
	(pc) =	sbr.rel @p0 .LBB2_1-.Ltmp2, $4  }
0x58: {  	[hbm:s12], [sflag:s20] =	dma.local [spmem:s21], $0x2800  }
0x59: {  	_ =	swait.ge [sflag:s15], $0x2800  }
0x5a: {  	[sflag:s15] =	ssyncset.done $0x0  }
0x5b: {  	[sflag:s15] =	ssyncadd.s32 $0xFFFFD800  }
0x5c: {  	_ =	sfence.sel $0x180000  }
0x5d: {  	[bflag:$0x0] =	sbarrier.arrive $0xFFFF  }
0x5e: {  	p0 =	sne.s32 s0, $0x0;
	_ =	strace $0x9000004A  }
0x5f: {  	s0 =	sadd.s32 @!p0 $0x100000, s1;
	[bflag:$0x2] =	sbarrier.arrive $0xFFFF  }
0x60: {  	[sflag:s0] =	ssyncadd.tile.s32 @!p0 $0x1;
	_ =	shalt  }
.Lfunc_end2:
_tile_overlayer_lowered:
.L_overlay_start_2:
0x61: {  	(tag) =	ssettag $0x2  }
0x62: {  	s0 =	rddreg [dreg:$0x0];
	s2 =	stileid.u32  }
0x63: {  	s1 =	rddreg [dreg:$0x1];
	p0 =	sne.s32 s2, $0x0  }
0x64: {  	s3 =	rddreg [dreg:$0x2];
	[bflag:$0x3] =	sbarrier.arrive $0xFFFF;
	s2 =	simm.s32 @!p0 $0x1C02  }
0x65: {  	[timem:s3], [sflag:s2] =	dma.local @!p0 [hbm:s0], s1  }
0x66: {  	s0 =	simm.s32 @!p0 $0x2  }
0x67: {  	_ =	swait.ge @!p0 [sflag:s0], s1  }
0x68: {  	s1 =	ssub.s32 @!p0 $0x0, s1;
	[sflag:s0] =	ssyncset.done @!p0 $0x0  }
0x69: {  	[sflag:s0] =	ssyncadd.s32 @!p0 s1  }
0x6a: {  	[bflag:$0x3] =	sbarrier.arrive $0xFFFF  }
0x6b: {  	_ =	shalt  }

</sc_bundles>
